<compile_context>
chip_gen: v7x
topology: tpu7x:2x2x1
jax: 0.10.2.dev20260603
libtpu: 0.0.44.dev20260713+nightly
codegen_flags: <defaults>
</compile_context>

<pallas_src>
import functools

import jax
import jax.numpy as jnp
from jax import lax
from jax.experimental import pallas as pl
from jax.experimental.pallas import tpu as pltpu
from jax.experimental.pallas import tpu_sc as plsc

N = 10000
E = 320000
IN_FEATS = 128
HID = 64
HH = HID // 2
OUT = 64
G = 128

NC = 2
NS = 16
NW = NC * NS
CH = 128
EPT = 20480
NCHT = EPT // CH
EP = NS * EPT
NP = 10240
RPT = NP // NS

BCR = 4
BC = BCR * CH
NSUP = NCHT // BCR

_mesh = plsc.VectorSubcoreMesh(core_axis_name="c", subcore_axis_name="s")
_sc_params = pltpu.CompilerParams(use_tc_tiling_on_sc=False)


NDC = NSUP // 2


@functools.partial(
    pl.kernel,
    out_type=jax.ShapeDtypeStruct((NC, NP, 16), jnp.float32),
    mesh=_mesh,
    scratch_types=[
        pltpu.VMEM((NDC, BC), jnp.int32),
        pltpu.VMEM((BC, 16), jnp.float32),
        pltpu.VMEM_SHARED((NP, 16), jnp.float32),
        pltpu.SemaphoreType.DMA,
    ],
    compiler_params=_sc_params,
)
def _deg_pass(ei_hbm, zeros_hbm, out_hbm, didx_v, ones_v, acc_sh, sem):
    c = lax.axis_index("c")
    s = lax.axis_index("s")
    pltpu.sync_copy(zeros_hbm.at[pl.ds(s * RPT, RPT)], acc_sh.at[pl.ds(s * RPT, RPT)])
    pltpu.sync_copy(ei_hbm.at[1, s, pl.ds(c * NDC, NDC)], didx_v)

    def fill(r, carry):
        ones_v[r, :] = jnp.ones((16,), jnp.float32)
        return carry

    lax.fori_loop(0, BC, fill, 0)
    plsc.subcore_barrier()

    def chunk(j, carry):
        pltpu.async_copy(ones_v, acc_sh.at[didx_v.at[j]], sem, add=True)
        return carry

    lax.fori_loop(0, NDC, chunk, 0)

    def drain(j, carry):
        pltpu.make_async_copy(zeros_hbm.at[pl.ds(0, BC)], ones_v, sem).wait()
        return carry

    lax.fori_loop(0, NDC, drain, 0)
    plsc.subcore_barrier()
    pltpu.sync_copy(acc_sh.at[pl.ds(s * RPT, RPT)], out_hbm.at[c, pl.ds(s * RPT, RPT)])


@functools.partial(
    pl.kernel,
    out_type=jax.ShapeDtypeStruct((NP, HID), jnp.float32),
    mesh=_mesh,
    scratch_types=[
        pltpu.VMEM((NSUP, BC), jnp.int32),
        pltpu.VMEM((NSUP, BC), jnp.int32),
        pltpu.VMEM((2, BC, HH), jnp.float32),
        pltpu.VMEM_SHARED((NP, HH), jnp.float32),
        pltpu.VMEM_SHARED((NP, HH), jnp.float32),
        pltpu.SemaphoreType.DMA((2,)),
        pltpu.SemaphoreType.DMA((2,)),
    ],
    compiler_params=_sc_params,
)
def _edge_pass(g_hbm, ei_hbm, out_hbm,
               sidx_v, didx_v, rows_v, gtab_sh, acc_sh, gsem, ssem):
    c = lax.axis_index("c")
    s = lax.axis_index("s")
    pltpu.sync_copy(g_hbm.at[pl.ds(s * RPT, RPT), pl.ds(c * HH, HH)],
                    acc_sh.at[pl.ds(s * RPT, RPT)])
    pltpu.sync_copy(g_hbm.at[pl.ds(s * RPT, RPT), pl.ds(c * HH, HH)],
                    gtab_sh.at[pl.ds(s * RPT, RPT)])
    pltpu.sync_copy(ei_hbm.at[0, s], sidx_v)
    pltpu.sync_copy(ei_hbm.at[1, s], didx_v)
    plsc.subcore_barrier()


    def fire_gather(t):
        p = t % 2
        pltpu.async_copy(gtab_sh.at[sidx_v.at[t]],
                         rows_v.at[p], gsem.at[p])

    def drain(buf, sem):
        pltpu.make_async_copy(g_hbm.at[pl.ds(0, BC), pl.ds(0, HH)],
                              rows_v.at[buf], sem).wait()

    fire_gather(0)

    def body(t, carry):
        p = t % 2
        q = (t + 1) % 2

        @pl.when(t >= 1)
        def _():
            drain(q, ssem.at[q])

        @pl.when(t + 1 < NSUP)
        def _():
            fire_gather(t + 1)

        drain(p, gsem.at[p])
        pltpu.async_copy(rows_v.at[p],
                         acc_sh.at[didx_v.at[t]],
                         ssem.at[p], add=True)
        return carry

    lax.fori_loop(0, NSUP, body, 0)
    drain((NSUP - 1) % 2, ssem.at[(NSUP - 1) % 2])
    plsc.subcore_barrier()
    pltpu.sync_copy(acc_sh.at[pl.ds(s * RPT, RPT)],
                    out_hbm.at[pl.ds(s * RPT, RPT), pl.ds(c * HH, HH)])


def _tc_a0(x_ref, w1_ref, h1_ref):
    h1_ref[...] = jnp.dot(x_ref[...], w1_ref[...],
                          preferred_element_type=jnp.float32)


def _tc_a1(deg_ref, h1_ref, g1_ref, dinv_ref):
    deg = (deg_ref[0] + deg_ref[1])[:N, 0:1]
    dinv = lax.rsqrt(deg + 1.0)
    g1_ref[pl.ds(0, N), :] = h1_ref[...] * dinv
    g1_ref[pl.ds(N, NP - N), :] = jnp.zeros((NP - N, HID), jnp.float32)
    dinv_ref[...] = dinv


def _tc_b0(root_ref, batch_ref, rext_ref):
    oh = (batch_ref[...] == lax.broadcasted_iota(jnp.int32, (N, G), 1)
          ).astype(jnp.float32)
    rext_ref[...] = jnp.dot(oh, root_ref[...],
                            preferred_element_type=jnp.float32)


def _tc_b1(accp_ref, dinv_ref, b1_ref, rext_ref, w2_ref, g2_ref, x2_ref):
    dinv = dinv_ref[...]
    x2 = dinv * accp_ref[pl.ds(0, N), :] + b1_ref[...]
    hcat = jnp.maximum(jnp.concatenate([x2, rext_ref[...]], axis=1), 0.0)
    gg = jnp.dot(hcat, w2_ref[...], preferred_element_type=jnp.float32) * dinv
    g2_ref[pl.ds(0, N), :] = gg
    g2_ref[pl.ds(N, NP - N), :] = jnp.zeros((NP - N, OUT), jnp.float32)
    x2_ref[...] = x2


def _tc_c0(x2_ref, batch_ref, ridx_ref, re2_ref, counts_ref):
    ohr = (ridx_ref[...] == lax.broadcasted_iota(jnp.int32, (G, N), 1)
           ).astype(jnp.float32)
    xroot = jnp.dot(ohr, x2_ref[...], preferred_element_type=jnp.float32)
    oh = (batch_ref[...] == lax.broadcasted_iota(jnp.int32, (N, G), 1)
          ).astype(jnp.float32)
    re2_ref[...] = jnp.dot(oh, xroot, preferred_element_type=jnp.float32)
    counts_ref[...] = lax.dot_general(oh, jnp.ones((N, 1), jnp.float32),
                                      (((0,), (0,)), ((), ())),
                                      preferred_element_type=jnp.float32)


def _tc_c1(accp_ref, dinv_ref, b2_ref, re2_ref, counts_ref, batch_ref,
           out_ref):
    dinv = dinv_ref[...]
    h3 = jnp.maximum(dinv * accp_ref[pl.ds(0, N), :] + b2_ref[...], 0.0)
    hf = jnp.concatenate([h3, re2_ref[...]], axis=1)
    oh = (batch_ref[...] == lax.broadcasted_iota(jnp.int32, (N, G), 1)
          ).astype(jnp.float32)
    seg = lax.dot_general(oh, hf, (((0,), (0,)), ((), ())),
                          preferred_element_type=jnp.float32)
    out_ref[...] = seg / jnp.maximum(counts_ref[...], 1.0)


def kernel(x, edge_index, root, batch, rootindex, W1, b1, W2, b2):
    ei4 = jnp.pad(edge_index, ((0, 0), (0, EP - E)),
                  constant_values=N).reshape(2, NS, NSUP, BC)
    z16 = jnp.zeros((NP, 16), jnp.float32)
    batch2 = batch.reshape(N, 1)
    ridx2 = rootindex.reshape(G, 1)

    degp = _deg_pass(ei4, z16)

    h1 = pl.pallas_call(
        _tc_a0,
        out_shape=jax.ShapeDtypeStruct((N, HID), jnp.float32),
    )(x, W1)

    g1, dinv = pl.pallas_call(
        _tc_a1,
        out_shape=(
            jax.ShapeDtypeStruct((NP, HID), jnp.float32),
            jax.ShapeDtypeStruct((N, 1), jnp.float32),
        ),
    )(degp, h1)

    rext = pl.pallas_call(
        _tc_b0,
        out_shape=jax.ShapeDtypeStruct((N, IN_FEATS), jnp.float32),
    )(root, batch2)

    accp1 = _edge_pass(g1, ei4)

    g2, x2 = pl.pallas_call(
        _tc_b1,
        out_shape=(
            jax.ShapeDtypeStruct((NP, OUT), jnp.float32),
            jax.ShapeDtypeStruct((N, HID), jnp.float32),
        ),
    )(accp1, dinv, b1.reshape(1, HID), rext, W2)

    re2, counts = pl.pallas_call(
        _tc_c0,
        out_shape=(
            jax.ShapeDtypeStruct((N, HID), jnp.float32),
            jax.ShapeDtypeStruct((G, 1), jnp.float32),
        ),
    )(x2, batch2, ridx2)

    accp2 = _edge_pass(g2, ei4)

    out = pl.pallas_call(
        _tc_c1,
        out_shape=jax.ShapeDtypeStruct((G, IN_FEATS), jnp.float32),
    )(accp2, dinv, b2.reshape(1, OUT), re2, counts, batch2)

    return out

# --- scband reference (transcript-rebuilt; emitter-appended) ---
"""Pipeline reference for scband-tdrumor-gcn-34634616275004 (READ-ONLY COPY).

The authoritative reference and input builder live on the scoring server;
editing this copy changes nothing except your own understanding.
"""

import jax, jax.numpy as jnp
import numpy as np

N = 10000
E = 320000
IN_FEATS = 128
HID_FEATS = 64
OUT_FEATS = 64
NUM_GRAPHS = 128


def gcn_conv(x, edge_index, W, b, num_nodes):
    # PyG GCNConv: add self-loops, symmetric normalization, linear transform, scatter-add aggregate
    src = edge_index[0]
    dst = edge_index[1]
    loop = jnp.arange(num_nodes, dtype=src.dtype)
    src = jnp.concatenate([src, loop])
    dst = jnp.concatenate([dst, loop])
    deg = jnp.zeros((num_nodes,), dtype=x.dtype).at[dst].add(1.0)
    dinv = jnp.where(deg > 0, jax.lax.rsqrt(jnp.maximum(deg, 1.0)), 0.0)
    norm = dinv[src] * dinv[dst]
    h = x @ W
    msg = h[src] * norm[:, None]
    out = jnp.zeros((num_nodes, h.shape[1]), dtype=h.dtype).at[dst].add(msg)
    return out + b


def forward(x, root, W1, b1, W2, b2, edge_index, batch, rootindex):
    h = gcn_conv(x, edge_index, W1, b1, N)
    x2 = h
    # root_extend: per-node copy of its graph's root feature (vectorized form of the batch loop)
    root_extend = root[batch]
    h = jnp.concatenate([h, root_extend], axis=1)
    h = jax.nn.relu(h)
    # dropout is identity in eval mode
    h = gcn_conv(h, edge_index, W2, b2, N)
    h = jax.nn.relu(h)
    root_extend2 = x2[rootindex[batch]]
    h = jnp.concatenate([h, root_extend2], axis=1)
    seg_sum = jax.ops.segment_sum(h, batch, num_segments=NUM_GRAPHS)
    counts = jax.ops.segment_sum(jnp.ones((h.shape[0],), dtype=h.dtype), batch, num_segments=NUM_GRAPHS)
    return seg_sum / jnp.maximum(counts, 1.0)[:, None]


def setup_inputs(seed: int = 0):
    key = jax.random.key(seed)
    ks = jax.random.split(key, 9)
    x = jax.random.normal(ks[0], (N, IN_FEATS), dtype=jnp.float32)
    edge_index = jax.random.randint(ks[1], (2, E), 0, N, dtype=jnp.int32)
    root = jax.random.normal(ks[2], (NUM_GRAPHS, IN_FEATS), dtype=jnp.float32)
    batch = jnp.sort(jax.random.randint(ks[3], (N,), 0, NUM_GRAPHS, dtype=jnp.int32))
    rootindex = jax.random.randint(ks[4], (NUM_GRAPHS,), 0, N, dtype=jnp.int32)
    W1 = jax.random.normal(ks[5], (IN_FEATS, HID_FEATS), dtype=jnp.float32) * 0.05
    b1 = jnp.zeros((HID_FEATS,), dtype=jnp.float32)
    W2 = jax.random.normal(ks[6], (HID_FEATS + IN_FEATS, OUT_FEATS), dtype=jnp.float32) * 0.05
    b2 = jnp.zeros((OUT_FEATS,), dtype=jnp.float32)
    return {"x": x, "edge_index": edge_index, "root": root, "batch": batch, "rootindex": rootindex, "W1": W1, "b1": b1, "W2": W2, "b2": b2}


def reference(x, edge_index, root, batch, rootindex, W1, b1, W2, b2):
    return forward(x, root, W1, b1, W2, b2, edge_index, batch, rootindex)

if __name__ == "__main__":
    import jax
    _d = setup_inputs()
    print(jax.jit(kernel)(*tuple(_d.values())))

</pallas_src>

<mosaic_0001>
#map = affine_map<(d0, d1) -> (0, 0, 0, 0)>
#map1 = affine_map<(d0, d1) -> (0, 0)>
#map2 = affine_map<(d0, d1) -> (0, 0, 0)>
module attributes {stable_mosaic.version = 14 : i64} {
  func.func @_deg_pass(%arg0: i32, %arg1: i32, %arg2: memref<2x16x40x512xi32, #tpu.memory_space<hbm>>, %arg3: memref<10240x16xf32, #tpu.memory_space<hbm>>, %arg4: memref<2x10240x16xf32, #tpu.memory_space<hbm>>, %arg5: memref<20x512xi32, #tpu.memory_space<vmem>>, %arg6: memref<512x16xf32, #tpu.memory_space<vmem>>, %arg7: memref<10240x16xf32, #tpu.memory_space<vmem_shared>>, %arg8: memref<!tpu.dma_semaphore, #tpu.memory_space<semaphore_mem>>) attributes {dimension_semantics = [#tpu.dimension_semantics<core_parallel>, #tpu.dimension_semantics<subcore_parallel>], iteration_bounds = array<i64: 2, 16>, scalar_prefetch = 0 : i64, scratch_operands = 4 : i64, tpu.core_type = #tpu.core_type<sc_vector_subcore>, window_params = [{transform_indices = #map}, {transform_indices = #map1}, {transform_indices = #map2}]} {
    %mul3A = arith.constant 640 : i32
    %mul3A_0 = arith.muli %arg1, %mul3A : i32
    %mul3A_1 = arith.constant 640 : i32
    %mul3A_2 = arith.muli %arg1, %mul3A_1 : i32
    "tpu.region"() ({
      %run_scoped3A_27 = tpu.sem_alloc : memref<!tpu.dma_semaphore, #tpu.memory_space<semaphore_mem>>
      %dma_start3A = arith.constant 0 : i32
      %dma_start3A_28 = tpu.memref_slice %arg7[%mul3A_2, %dma_start3A] : memref<10240x16xf32, #tpu.memory_space<vmem_shared>> -> memref<640x16xf32, #tpu.memory_space<vmem_shared>>
      %dma_start3A_29 = arith.constant 0 : i32
      %dma_start3A_30 = tpu.memref_slice %arg3[%mul3A_0, %dma_start3A_29] : memref<10240x16xf32, #tpu.memory_space<hbm>> -> memref<640x16xf32, #tpu.memory_space<hbm>>
      tpu.enqueue_dma source(%dma_start3A_30 : memref<640x16xf32, #tpu.memory_space<hbm>>) target(%dma_start3A_28 : memref<640x16xf32, #tpu.memory_space<vmem_shared>>) target_semaphore(%run_scoped3A_27 : memref<!tpu.dma_semaphore, #tpu.memory_space<semaphore_mem>>)
      %dma_wait3A = arith.constant 0 : i32
      %dma_wait3A_31 = tpu.memref_slice %arg7[%mul3A_2, %dma_wait3A] : memref<10240x16xf32, #tpu.memory_space<vmem_shared>> -> memref<640x16xf32, #tpu.memory_space<vmem_shared>>
      %dma_wait3A_32 = arith.constant 0 : i32
      %dma_wait3A_33 = tpu.memref_slice %arg3[%mul3A_0, %dma_wait3A_32] : memref<10240x16xf32, #tpu.memory_space<hbm>> -> memref<640x16xf32, #tpu.memory_space<hbm>>
      tpu.wait_dma2 semaphore(%run_scoped3A_27 : memref<!tpu.dma_semaphore, #tpu.memory_space<semaphore_mem>>) src(%dma_wait3A_33 : memref<640x16xf32, #tpu.memory_space<hbm>>) dst(%dma_wait3A_31 : memref<640x16xf32, #tpu.memory_space<vmem_shared>>)
      tpu.yield
    }) : () -> ()
    %mul3A_3 = arith.constant 20 : i32
    %mul3A_4 = arith.muli %arg0, %mul3A_3 : i32
    %run_scoped3A = arith.constant 1 : i32
    "tpu.region"() ({
      %run_scoped3A_27 = tpu.sem_alloc : memref<!tpu.dma_semaphore, #tpu.memory_space<semaphore_mem>>
      %dma_start3A = arith.constant 0 : i32
      %dma_start3A_28 = tpu.memref_slice %arg2[%run_scoped3A, %arg1, %mul3A_4, %dma_start3A] : memref<2x16x40x512xi32, #tpu.memory_space<hbm>> -> memref<1x1x20x512xi32, #tpu.memory_space<hbm>>
      %dma_start3A_29 = tpu.memref_squeeze %dma_start3A_28 : memref<1x1x20x512xi32, #tpu.memory_space<hbm>> -> memref<20x512xi32, #tpu.memory_space<hbm>>
      %dma_start3A_30 = arith.constant 0 : i32
      %dma_start3A_31 = tpu.memref_slice %arg2[%run_scoped3A, %arg1, %mul3A_4, %dma_start3A_30] : memref<2x16x40x512xi32, #tpu.memory_space<hbm>> -> memref<1x1x20x512xi32, #tpu.memory_space<hbm>>
      %dma_start3A_32 = tpu.memref_squeeze %dma_start3A_31 : memref<1x1x20x512xi32, #tpu.memory_space<hbm>> -> memref<20x512xi32, #tpu.memory_space<hbm>>
      tpu.enqueue_dma source(%dma_start3A_32 : memref<20x512xi32, #tpu.memory_space<hbm>>) target(%arg5 : memref<20x512xi32, #tpu.memory_space<vmem>>) target_semaphore(%run_scoped3A_27 : memref<!tpu.dma_semaphore, #tpu.memory_space<semaphore_mem>>)
      %dma_wait3A = arith.constant 0 : i32
      %dma_wait3A_33 = tpu.memref_slice %arg2[%run_scoped3A, %arg1, %mul3A_4, %dma_wait3A] : memref<2x16x40x512xi32, #tpu.memory_space<hbm>> -> memref<1x1x20x512xi32, #tpu.memory_space<hbm>>
      %dma_wait3A_34 = tpu.memref_squeeze %dma_wait3A_33 : memref<1x1x20x512xi32, #tpu.memory_space<hbm>> -> memref<20x512xi32, #tpu.memory_space<hbm>>
      %dma_wait3A_35 = arith.constant 0 : i32
      %dma_wait3A_36 = tpu.memref_slice %arg2[%run_scoped3A, %arg1, %mul3A_4, %dma_wait3A_35] : memref<2x16x40x512xi32, #tpu.memory_space<hbm>> -> memref<1x1x20x512xi32, #tpu.memory_space<hbm>>
      %dma_wait3A_37 = tpu.memref_squeeze %dma_wait3A_36 : memref<1x1x20x512xi32, #tpu.memory_space<hbm>> -> memref<20x512xi32, #tpu.memory_space<hbm>>
      tpu.wait_dma2 semaphore(%run_scoped3A_27 : memref<!tpu.dma_semaphore, #tpu.memory_space<semaphore_mem>>) src(%dma_wait3A_37 : memref<20x512xi32, #tpu.memory_space<hbm>>) dst(%arg5 : memref<20x512xi32, #tpu.memory_space<vmem>>)
      tpu.yield
    }) : () -> ()
    %scan3A = arith.constant 0 : i32
    %scan3A_5 = arith.constant 0 : i32
    %scan3A_6 = arith.constant 512 : i32
    %scan3A_7 = arith.addi %scan3A_5, %scan3A_6 : i32
    %scan3A_8 = arith.constant 1 : i32
    scf.for %scan3A_27 = %scan3A_5 to %scan3A_7 step %scan3A_8  : i32 {
      %broadcast_in_dim3A = arith.constant 1.000000e+00 : f32
      %broadcast_in_dim3A_28 = vector.broadcast %broadcast_in_dim3A : f32 to vector<16xf32>
      %swap3A = arith.index_cast %scan3A_27 : i32 to index
      %swap3A_29 = arith.constant 0 : index
      %swap3A_30 = tpu.vector_load %arg6[%swap3A, %swap3A_29] {strides = array<i32>} : memref<512x16xf32, #tpu.memory_space<vmem>>, vector<1x16xf32>,
      %swap3A_31 = vector.shape_cast %swap3A_30 : vector<1x16xf32> to vector<16xf32>
      %swap3A_32 = vector.shape_cast %broadcast_in_dim3A_28 : vector<16xf32> to vector<1x16xf32>
      tpu.vector_store %arg6[%swap3A, %swap3A_29], %swap3A_32 {strides = array<i32>} : memref<512x16xf32, #tpu.memory_space<vmem>>, vector<1x16xf32>,
    }
    %scan3A_9 = arith.constant 512 : i32
    %barrier3A = arith.constant 0 : index
    tpu.barrier barrier_id(%barrier3A)
    %scan3A_10 = arith.constant 0 : i32
    %scan3A_11 = arith.constant 0 : i32
    %scan3A_12 = arith.constant 20 : i32
    %scan3A_13 = arith.addi %scan3A_11, %scan3A_12 : i32
    %scan3A_14 = arith.constant 1 : i32
    scf.for %scan3A_27 = %scan3A_11 to %scan3A_13 step %scan3A_14  : i32 {
      %dma_start3A = arith.constant 0 : i32
      %dma_start3A_28 = tpu.memref_slice %arg5[%scan3A_27, %dma_start3A] : memref<20x512xi32, #tpu.memory_space<vmem>> -> memref<1x512xi32, #tpu.memory_space<vmem>>
      %dma_start3A_29 = tpu.memref_squeeze %dma_start3A_28 : memref<1x512xi32, #tpu.memory_space<vmem>> -> memref<512xi32, #tpu.memory_space<vmem>>
      %dma_start3A_30 = arith.constant 0 : i32
      %dma_start3A_31 = arith.constant 0 : i32
      %dma_start3A_32 = tpu.memref_slice %arg7[%dma_start3A_30, %dma_start3A_31] : memref<10240x16xf32, #tpu.memory_space<vmem_shared>> -> memref<10240x16xf32, #tpu.memory_space<vmem_shared>>
      tpu.enqueue_indirect_dma source(%arg6 : memref<512x16xf32, #tpu.memory_space<vmem>>) target(%dma_start3A_32 : memref<10240x16xf32, #tpu.memory_space<vmem_shared>>) offsets(%dma_start3A_29 : memref<512xi32, #tpu.memory_space<vmem>>) semaphore(%arg8 : memref<!tpu.dma_semaphore, #tpu.memory_space<semaphore_mem>>) {add = true}
    }
    %scan3A_15 = arith.constant 20 : i32
    %scan3A_16 = arith.constant 0 : i32
    %scan3A_17 = arith.constant 0 : i32
    %scan3A_18 = arith.constant 20 : i32
    %scan3A_19 = arith.addi %scan3A_17, %scan3A_18 : i32
    %scan3A_20 = arith.constant 1 : i32
    scf.for %scan3A_27 = %scan3A_17 to %scan3A_19 step %scan3A_20  : i32 {
      %dma_wait3A = arith.constant 0 : i32
      %dma_wait3A_28 = arith.constant 0 : i32
      %dma_wait3A_29 = tpu.memref_slice %arg3[%dma_wait3A, %dma_wait3A_28] : memref<10240x16xf32, #tpu.memory_space<hbm>> -> memref<512x16xf32, #tpu.memory_space<hbm>>
      %dma_wait3A_30 = arith.constant 0 : i32
      %dma_wait3A_31 = arith.constant 0 : i32
      %dma_wait3A_32 = tpu.memref_slice %arg3[%dma_wait3A_30, %dma_wait3A_31] : memref<10240x16xf32, #tpu.memory_space<hbm>> -> memref<512x16xf32, #tpu.memory_space<hbm>>
      tpu.wait_dma2 semaphore(%arg8 : memref<!tpu.dma_semaphore, #tpu.memory_space<semaphore_mem>>) src(%dma_wait3A_32 : memref<512x16xf32, #tpu.memory_space<hbm>>) dst(%arg6 : memref<512x16xf32, #tpu.memory_space<vmem>>)
    }
    %scan3A_21 = arith.constant 20 : i32
    %barrier3A_22 = arith.constant 0 : index
    tpu.barrier barrier_id(%barrier3A_22)
    %mul3A_23 = arith.constant 640 : i32
    %mul3A_24 = arith.muli %arg1, %mul3A_23 : i32
    %mul3A_25 = arith.constant 640 : i32
    %mul3A_26 = arith.muli %arg1, %mul3A_25 : i32
    "tpu.region"() ({
      %run_scoped3A_27 = tpu.sem_alloc : memref<!tpu.dma_semaphore, #tpu.memory_space<semaphore_mem>>
      %dma_start3A = arith.constant 0 : i32
      %dma_start3A_28 = tpu.memref_slice %arg4[%arg0, %mul3A_26, %dma_start3A] : memref<2x10240x16xf32, #tpu.memory_space<hbm>> -> memref<1x640x16xf32, #tpu.memory_space<hbm>>
      %dma_start3A_29 = tpu.memref_squeeze %dma_start3A_28 : memref<1x640x16xf32, #tpu.memory_space<hbm>> -> memref<640x16xf32, #tpu.memory_space<hbm>>
      %dma_start3A_30 = arith.constant 0 : i32
      %dma_start3A_31 = tpu.memref_slice %arg7[%mul3A_24, %dma_start3A_30] : memref<10240x16xf32, #tpu.memory_space<vmem_shared>> -> memref<640x16xf32, #tpu.memory_space<vmem_shared>>
      tpu.enqueue_dma source(%dma_start3A_31 : memref<640x16xf32, #tpu.memory_space<vmem_shared>>) target(%dma_start3A_29 : memref<640x16xf32, #tpu.memory_space<hbm>>) target_semaphore(%run_scoped3A_27 : memref<!tpu.dma_semaphore, #tpu.memory_space<semaphore_mem>>)
      %dma_wait3A = arith.constant 0 : i32
      %dma_wait3A_32 = tpu.memref_slice %arg4[%arg0, %mul3A_26, %dma_wait3A] : memref<2x10240x16xf32, #tpu.memory_space<hbm>> -> memref<1x640x16xf32, #tpu.memory_space<hbm>>
      %dma_wait3A_33 = tpu.memref_squeeze %dma_wait3A_32 : memref<1x640x16xf32, #tpu.memory_space<hbm>> -> memref<640x16xf32, #tpu.memory_space<hbm>>
      %dma_wait3A_34 = arith.constant 0 : i32
      %dma_wait3A_35 = tpu.memref_slice %arg7[%mul3A_24, %dma_wait3A_34] : memref<10240x16xf32, #tpu.memory_space<vmem_shared>> -> memref<640x16xf32, #tpu.memory_space<vmem_shared>>
      tpu.wait_dma2 semaphore(%run_scoped3A_27 : memref<!tpu.dma_semaphore, #tpu.memory_space<semaphore_mem>>) src(%dma_wait3A_35 : memref<640x16xf32, #tpu.memory_space<vmem_shared>>) dst(%dma_wait3A_33 : memref<640x16xf32, #tpu.memory_space<hbm>>)
      tpu.yield
    }) : () -> ()
    return
  }
}

#map = affine_map<(d0, d1) -> (0, 0)>
#map1 = affine_map<(d0, d1) -> (0, 0, 0, 0)>
module attributes {stable_mosaic.version = 14 : i64} {
  func.func @_edge_pass(%arg0: i32, %arg1: i32, %arg2: memref<10240x64xf32, #tpu.memory_space<hbm>>, %arg3: memref<2x16x40x512xi32, #tpu.memory_space<hbm>>, %arg4: memref<10240x64xf32, #tpu.memory_space<hbm>>, %arg5: memref<40x512xi32, #tpu.memory_space<vmem>>, %arg6: memref<40x512xi32, #tpu.memory_space<vmem>>, %arg7: memref<2x512x32xf32, #tpu.memory_space<vmem>>, %arg8: memref<10240x32xf32, #tpu.memory_space<vmem_shared>>, %arg9: memref<10240x32xf32, #tpu.memory_space<vmem_shared>>, %arg10: memref<2x!tpu.dma_semaphore, #tpu.memory_space<semaphore_mem>>, %arg11: memref<2x!tpu.dma_semaphore, #tpu.memory_space<semaphore_mem>>) attributes {dimension_semantics = [#tpu.dimension_semantics<core_parallel>, #tpu.dimension_semantics<subcore_parallel>], iteration_bounds = array<i64: 2, 16>, scalar_prefetch = 0 : i64, scratch_operands = 7 : i64, tpu.core_type = #tpu.core_type<sc_vector_subcore>, window_params = [{transform_indices = #map}, {transform_indices = #map1}, {transform_indices = #map}]} {
    %mul3A = arith.constant 640 : i32
    %mul3A_0 = arith.muli %arg1, %mul3A : i32
    %mul3A_1 = arith.constant 32 : i32
    %mul3A_2 = arith.muli %arg0, %mul3A_1 : i32
    %mul3A_3 = arith.constant 640 : i32
    %mul3A_4 = arith.muli %arg1, %mul3A_3 : i32
    "tpu.region"() ({
      %run_scoped3A_55 = tpu.sem_alloc : memref<!tpu.dma_semaphore, #tpu.memory_space<semaphore_mem>>
      %dma_start3A_56 = arith.constant 0 : i32
      %dma_start3A_57 = tpu.memref_slice %arg9[%mul3A_4, %dma_start3A_56] : memref<10240x32xf32, #tpu.memory_space<vmem_shared>> -> memref<640x32xf32, #tpu.memory_space<vmem_shared>>
      %dma_start3A_58 = tpu.memref_slice %arg2[%mul3A_0, %mul3A_2] : memref<10240x64xf32, #tpu.memory_space<hbm>> -> memref<640x32xf32, #tpu.memory_space<hbm>>
      tpu.enqueue_dma source(%dma_start3A_58 : memref<640x32xf32, #tpu.memory_space<hbm>>) target(%dma_start3A_57 : memref<640x32xf32, #tpu.memory_space<vmem_shared>>) target_semaphore(%run_scoped3A_55 : memref<!tpu.dma_semaphore, #tpu.memory_space<semaphore_mem>>)
      %dma_wait3A_59 = arith.constant 0 : i32
      %dma_wait3A_60 = tpu.memref_slice %arg9[%mul3A_4, %dma_wait3A_59] : memref<10240x32xf32, #tpu.memory_space<vmem_shared>> -> memref<640x32xf32, #tpu.memory_space<vmem_shared>>
      %dma_wait3A_61 = tpu.memref_slice %arg2[%mul3A_0, %mul3A_2] : memref<10240x64xf32, #tpu.memory_space<hbm>> -> memref<640x32xf32, #tpu.memory_space<hbm>>
      tpu.wait_dma2 semaphore(%run_scoped3A_55 : memref<!tpu.dma_semaphore, #tpu.memory_space<semaphore_mem>>) src(%dma_wait3A_61 : memref<640x32xf32, #tpu.memory_space<hbm>>) dst(%dma_wait3A_60 : memref<640x32xf32, #tpu.memory_space<vmem_shared>>)
      tpu.yield
    }) : () -> ()
    %mul3A_5 = arith.constant 640 : i32
    %mul3A_6 = arith.muli %arg1, %mul3A_5 : i32
    %mul3A_7 = arith.constant 32 : i32
    %mul3A_8 = arith.muli %arg0, %mul3A_7 : i32
    %mul3A_9 = arith.constant 640 : i32
    %mul3A_10 = arith.muli %arg1, %mul3A_9 : i32
    "tpu.region"() ({
      %run_scoped3A_55 = tpu.sem_alloc : memref<!tpu.dma_semaphore, #tpu.memory_space<semaphore_mem>>
      %dma_start3A_56 = arith.constant 0 : i32
      %dma_start3A_57 = tpu.memref_slice %arg8[%mul3A_10, %dma_start3A_56] : memref<10240x32xf32, #tpu.memory_space<vmem_shared>> -> memref<640x32xf32, #tpu.memory_space<vmem_shared>>
      %dma_start3A_58 = tpu.memref_slice %arg2[%mul3A_6, %mul3A_8] : memref<10240x64xf32, #tpu.memory_space<hbm>> -> memref<640x32xf32, #tpu.memory_space<hbm>>
      tpu.enqueue_dma source(%dma_start3A_58 : memref<640x32xf32, #tpu.memory_space<hbm>>) target(%dma_start3A_57 : memref<640x32xf32, #tpu.memory_space<vmem_shared>>) target_semaphore(%run_scoped3A_55 : memref<!tpu.dma_semaphore, #tpu.memory_space<semaphore_mem>>)
      %dma_wait3A_59 = arith.constant 0 : i32
      %dma_wait3A_60 = tpu.memref_slice %arg8[%mul3A_10, %dma_wait3A_59] : memref<10240x32xf32, #tpu.memory_space<vmem_shared>> -> memref<640x32xf32, #tpu.memory_space<vmem_shared>>
      %dma_wait3A_61 = tpu.memref_slice %arg2[%mul3A_6, %mul3A_8] : memref<10240x64xf32, #tpu.memory_space<hbm>> -> memref<640x32xf32, #tpu.memory_space<hbm>>
      tpu.wait_dma2 semaphore(%run_scoped3A_55 : memref<!tpu.dma_semaphore, #tpu.memory_space<semaphore_mem>>) src(%dma_wait3A_61 : memref<640x32xf32, #tpu.memory_space<hbm>>) dst(%dma_wait3A_60 : memref<640x32xf32, #tpu.memory_space<vmem_shared>>)
      tpu.yield
    }) : () -> ()
    %run_scoped3A = arith.constant 0 : i32
    "tpu.region"() ({
      %run_scoped3A_55 = tpu.sem_alloc : memref<!tpu.dma_semaphore, #tpu.memory_space<semaphore_mem>>
      %dma_start3A_56 = arith.constant 0 : i32
      %dma_start3A_57 = arith.constant 0 : i32
      %dma_start3A_58 = tpu.memref_slice %arg3[%run_scoped3A, %arg1, %dma_start3A_56, %dma_start3A_57] : memref<2x16x40x512xi32, #tpu.memory_space<hbm>> -> memref<1x1x40x512xi32, #tpu.memory_space<hbm>>
      %dma_start3A_59 = tpu.memref_squeeze %dma_start3A_58 : memref<1x1x40x512xi32, #tpu.memory_space<hbm>> -> memref<40x512xi32, #tpu.memory_space<hbm>>
      %dma_start3A_60 = arith.constant 0 : i32
      %dma_start3A_61 = arith.constant 0 : i32
      %dma_start3A_62 = tpu.memref_slice %arg3[%run_scoped3A, %arg1, %dma_start3A_60, %dma_start3A_61] : memref<2x16x40x512xi32, #tpu.memory_space<hbm>> -> memref<1x1x40x512xi32, #tpu.memory_space<hbm>>
      %dma_start3A_63 = tpu.memref_squeeze %dma_start3A_62 : memref<1x1x40x512xi32, #tpu.memory_space<hbm>> -> memref<40x512xi32, #tpu.memory_space<hbm>>
      tpu.enqueue_dma source(%dma_start3A_63 : memref<40x512xi32, #tpu.memory_space<hbm>>) target(%arg5 : memref<40x512xi32, #tpu.memory_space<vmem>>) target_semaphore(%run_scoped3A_55 : memref<!tpu.dma_semaphore, #tpu.memory_space<semaphore_mem>>)
      %dma_wait3A_64 = arith.constant 0 : i32
      %dma_wait3A_65 = arith.constant 0 : i32
      %dma_wait3A_66 = tpu.memref_slice %arg3[%run_scoped3A, %arg1, %dma_wait3A_64, %dma_wait3A_65] : memref<2x16x40x512xi32, #tpu.memory_space<hbm>> -> memref<1x1x40x512xi32, #tpu.memory_space<hbm>>
      %dma_wait3A_67 = tpu.memref_squeeze %dma_wait3A_66 : memref<1x1x40x512xi32, #tpu.memory_space<hbm>> -> memref<40x512xi32, #tpu.memory_space<hbm>>
      %dma_wait3A_68 = arith.constant 0 : i32
      %dma_wait3A_69 = arith.constant 0 : i32
      %dma_wait3A_70 = tpu.memref_slice %arg3[%run_scoped3A, %arg1, %dma_wait3A_68, %dma_wait3A_69] : memref<2x16x40x512xi32, #tpu.memory_space<hbm>> -> memref<1x1x40x512xi32, #tpu.memory_space<hbm>>
      %dma_wait3A_71 = tpu.memref_squeeze %dma_wait3A_70 : memref<1x1x40x512xi32, #tpu.memory_space<hbm>> -> memref<40x512xi32, #tpu.memory_space<hbm>>
      tpu.wait_dma2 semaphore(%run_scoped3A_55 : memref<!tpu.dma_semaphore, #tpu.memory_space<semaphore_mem>>) src(%dma_wait3A_71 : memref<40x512xi32, #tpu.memory_space<hbm>>) dst(%arg5 : memref<40x512xi32, #tpu.memory_space<vmem>>)
      tpu.yield
    }) : () -> ()
    %run_scoped3A_11 = arith.constant 1 : i32
    "tpu.region"() ({
      %run_scoped3A_55 = tpu.sem_alloc : memref<!tpu.dma_semaphore, #tpu.memory_space<semaphore_mem>>
      %dma_start3A_56 = arith.constant 0 : i32
      %dma_start3A_57 = arith.constant 0 : i32
      %dma_start3A_58 = tpu.memref_slice %arg3[%run_scoped3A_11, %arg1, %dma_start3A_56, %dma_start3A_57] : memref<2x16x40x512xi32, #tpu.memory_space<hbm>> -> memref<1x1x40x512xi32, #tpu.memory_space<hbm>>
      %dma_start3A_59 = tpu.memref_squeeze %dma_start3A_58 : memref<1x1x40x512xi32, #tpu.memory_space<hbm>> -> memref<40x512xi32, #tpu.memory_space<hbm>>
      %dma_start3A_60 = arith.constant 0 : i32
      %dma_start3A_61 = arith.constant 0 : i32
      %dma_start3A_62 = tpu.memref_slice %arg3[%run_scoped3A_11, %arg1, %dma_start3A_60, %dma_start3A_61] : memref<2x16x40x512xi32, #tpu.memory_space<hbm>> -> memref<1x1x40x512xi32, #tpu.memory_space<hbm>>
      %dma_start3A_63 = tpu.memref_squeeze %dma_start3A_62 : memref<1x1x40x512xi32, #tpu.memory_space<hbm>> -> memref<40x512xi32, #tpu.memory_space<hbm>>
      tpu.enqueue_dma source(%dma_start3A_63 : memref<40x512xi32, #tpu.memory_space<hbm>>) target(%arg6 : memref<40x512xi32, #tpu.memory_space<vmem>>) target_semaphore(%run_scoped3A_55 : memref<!tpu.dma_semaphore, #tpu.memory_space<semaphore_mem>>)
      %dma_wait3A_64 = arith.constant 0 : i32
      %dma_wait3A_65 = arith.constant 0 : i32
      %dma_wait3A_66 = tpu.memref_slice %arg3[%run_scoped3A_11, %arg1, %dma_wait3A_64, %dma_wait3A_65] : memref<2x16x40x512xi32, #tpu.memory_space<hbm>> -> memref<1x1x40x512xi32, #tpu.memory_space<hbm>>
      %dma_wait3A_67 = tpu.memref_squeeze %dma_wait3A_66 : memref<1x1x40x512xi32, #tpu.memory_space<hbm>> -> memref<40x512xi32, #tpu.memory_space<hbm>>
      %dma_wait3A_68 = arith.constant 0 : i32
      %dma_wait3A_69 = arith.constant 0 : i32
      %dma_wait3A_70 = tpu.memref_slice %arg3[%run_scoped3A_11, %arg1, %dma_wait3A_68, %dma_wait3A_69] : memref<2x16x40x512xi32, #tpu.memory_space<hbm>> -> memref<1x1x40x512xi32, #tpu.memory_space<hbm>>
      %dma_wait3A_71 = tpu.memref_squeeze %dma_wait3A_70 : memref<1x1x40x512xi32, #tpu.memory_space<hbm>> -> memref<40x512xi32, #tpu.memory_space<hbm>>
      tpu.wait_dma2 semaphore(%run_scoped3A_55 : memref<!tpu.dma_semaphore, #tpu.memory_space<semaphore_mem>>) src(%dma_wait3A_71 : memref<40x512xi32, #tpu.memory_space<hbm>>) dst(%arg6 : memref<40x512xi32, #tpu.memory_space<vmem>>)
      tpu.yield
    }) : () -> ()
    %barrier3A = arith.constant 0 : index
    tpu.barrier barrier_id(%barrier3A)
    %dma_start3A = arith.constant 0 : i32
    %dma_start3A_12 = arith.constant 0 : i32
    %dma_start3A_13 = arith.constant 0 : i32
    %dma_start3A_14 = arith.constant 0 : i32
    %dma_start3A_15 = arith.constant 0 : i32
    %dma_start3A_16 = tpu.memref_slice %arg7[%dma_start3A_12, %dma_start3A_14, %dma_start3A_15] : memref<2x512x32xf32, #tpu.memory_space<vmem>> -> memref<1x512x32xf32, #tpu.memory_space<vmem>>
    %dma_start3A_17 = tpu.memref_squeeze %dma_start3A_16 : memref<1x512x32xf32, #tpu.memory_space<vmem>> -> memref<512x32xf32, #tpu.memory_space<vmem>>
    %dma_start3A_18 = arith.constant 0 : i32
    %dma_start3A_19 = tpu.memref_slice %arg5[%dma_start3A, %dma_start3A_18] : memref<40x512xi32, #tpu.memory_space<vmem>> -> memref<1x512xi32, #tpu.memory_space<vmem>>
    %dma_start3A_20 = tpu.memref_squeeze %dma_start3A_19 : memref<1x512xi32, #tpu.memory_space<vmem>> -> memref<512xi32, #tpu.memory_space<vmem>>
    %dma_start3A_21 = arith.constant 0 : i32
    %dma_start3A_22 = arith.constant 0 : i32
    %dma_start3A_23 = tpu.memref_slice %arg8[%dma_start3A_21, %dma_start3A_22] : memref<10240x32xf32, #tpu.memory_space<vmem_shared>> -> memref<10240x32xf32, #tpu.memory_space<vmem_shared>>
    %dma_start3A_24 = tpu.memref_slice %arg10[%dma_start3A_13] : memref<2x!tpu.dma_semaphore, #tpu.memory_space<semaphore_mem>> -> memref<1x!tpu.dma_semaphore, #tpu.memory_space<semaphore_mem>>
    %dma_start3A_25 = tpu.memref_squeeze %dma_start3A_24 : memref<1x!tpu.dma_semaphore, #tpu.memory_space<semaphore_mem>> -> memref<!tpu.dma_semaphore, #tpu.memory_space<semaphore_mem>>
    tpu.enqueue_indirect_dma source(%dma_start3A_23 : memref<10240x32xf32, #tpu.memory_space<vmem_shared>>) target(%dma_start3A_17 : memref<512x32xf32, #tpu.memory_space<vmem>>) offsets(%dma_start3A_20 : memref<512xi32, #tpu.memory_space<vmem>>) semaphore(%dma_start3A_25 : memref<!tpu.dma_semaphore, #tpu.memory_space<semaphore_mem>>)
    %scan3A = arith.constant 0 : i32
    %scan3A_26 = arith.constant 0 : i32
    %scan3A_27 = arith.constant 40 : i32
    %scan3A_28 = arith.addi %scan3A_26, %scan3A_27 : i32
    %scan3A_29 = arith.constant 1 : i32
    scf.for %scan3A_55 = %scan3A_26 to %scan3A_28 step %scan3A_29  : i32 {
      %jit3A = arith.constant 2 : i32
      %eq3A = arith.constant 0 : i32
      %eq3A_56 = arith.cmpi eq, %jit3A, %eq3A : i32
      %jit3A_57 = arith.constant 1 : i32
      %select_n3A = arith.select %eq3A_56, %jit3A_57, %jit3A : i32
      %rem3A = arith.remsi %scan3A_55, %select_n3A : i32
      %ne3A = arith.constant 0 : i32
      %ne3A_58 = arith.cmpi ne, %rem3A, %ne3A : i32
      %lt3A = arith.constant 0 : i32
      %lt3A_59 = arith.cmpi slt, %rem3A, %lt3A : i32
      %lt3A_60 = arith.constant 0 : i32
      %lt3A_61 = arith.cmpi slt, %select_n3A, %lt3A_60 : i32
      %ne3A_62 = arith.xori %lt3A_59, %lt3A_61 : i1
      %and3A = arith.andi %ne3A_62, %ne3A_58 : i1
      %add3A = arith.addi %rem3A, %select_n3A : i32
      %select_n3A_63 = arith.select %and3A, %add3A, %rem3A : i32
      %add3A_64 = arith.constant 1 : i32
      %add3A_65 = arith.addi %scan3A_55, %add3A_64 : i32
      %jit3A_66 = arith.constant 2 : i32
      %eq3A_67 = arith.constant 0 : i32
      %eq3A_68 = arith.cmpi eq, %jit3A_66, %eq3A_67 : i32
      %jit3A_69 = arith.constant 1 : i32
      %select_n3A_70 = arith.select %eq3A_68, %jit3A_69, %jit3A_66 : i32
      %rem3A_71 = arith.remsi %add3A_65, %select_n3A_70 : i32
      %ne3A_72 = arith.constant 0 : i32
      %ne3A_73 = arith.cmpi ne, %rem3A_71, %ne3A_72 : i32
      %lt3A_74 = arith.constant 0 : i32
      %lt3A_75 = arith.cmpi slt, %rem3A_71, %lt3A_74 : i32
      %lt3A_76 = arith.constant 0 : i32
      %lt3A_77 = arith.cmpi slt, %select_n3A_70, %lt3A_76 : i32
      %ne3A_78 = arith.xori %lt3A_75, %lt3A_77 : i1
      %and3A_79 = arith.andi %ne3A_78, %ne3A_73 : i1
      %add3A_80 = arith.addi %rem3A_71, %select_n3A_70 : i32
      %select_n3A_81 = arith.select %and3A_79, %add3A_80, %rem3A_71 : i32
      %ge3A = arith.constant 1 : i32
      %ge3A_82 = arith.cmpi sge, %scan3A_55, %ge3A : i32
      %convert_element_type3A = arith.extui %ge3A_82 : i1 to i32
      %cond3A = arith.constant 0 : i32
      %cond3A_83 = arith.cmpi ne, %convert_element_type3A, %cond3A : i32
      scf.if %cond3A_83 {
        %dma_wait3A_119 = arith.constant 0 : i32
        %dma_wait3A_120 = arith.constant 0 : i32
        %dma_wait3A_121 = tpu.memref_slice %arg7[%select_n3A_81, %dma_wait3A_119, %dma_wait3A_120] : memref<2x512x32xf32, #tpu.memory_space<vmem>> -> memref<1x512x32xf32, #tpu.memory_space<vmem>>
        %dma_wait3A_122 = tpu.memref_squeeze %dma_wait3A_121 : memref<1x512x32xf32, #tpu.memory_space<vmem>> -> memref<512x32xf32, #tpu.memory_space<vmem>>
        %dma_wait3A_123 = arith.constant 0 : i32
        %dma_wait3A_124 = arith.constant 0 : i32
        %dma_wait3A_125 = tpu.memref_slice %arg2[%dma_wait3A_123, %dma_wait3A_124] : memref<10240x64xf32, #tpu.memory_space<hbm>> -> memref<512x32xf32, #tpu.memory_space<hbm>>
        %dma_wait3A_126 = tpu.memref_slice %arg11[%select_n3A_81] : memref<2x!tpu.dma_semaphore, #tpu.memory_space<semaphore_mem>> -> memref<1x!tpu.dma_semaphore, #tpu.memory_space<semaphore_mem>>
        %dma_wait3A_127 = tpu.memref_squeeze %dma_wait3A_126 : memref<1x!tpu.dma_semaphore, #tpu.memory_space<semaphore_mem>> -> memref<!tpu.dma_semaphore, #tpu.memory_space<semaphore_mem>>
        %dma_wait3A_128 = arith.constant 0 : i32
        %dma_wait3A_129 = arith.constant 0 : i32
        %dma_wait3A_130 = tpu.memref_slice %arg7[%select_n3A_81, %dma_wait3A_128, %dma_wait3A_129] : memref<2x512x32xf32, #tpu.memory_space<vmem>> -> memref<1x512x32xf32, #tpu.memory_space<vmem>>
        %dma_wait3A_131 = tpu.memref_squeeze %dma_wait3A_130 : memref<1x512x32xf32, #tpu.memory_space<vmem>> -> memref<512x32xf32, #tpu.memory_space<vmem>>
        %dma_wait3A_132 = arith.constant 0 : i32
        %dma_wait3A_133 = arith.constant 0 : i32
        %dma_wait3A_134 = tpu.memref_slice %arg2[%dma_wait3A_132, %dma_wait3A_133] : memref<10240x64xf32, #tpu.memory_space<hbm>> -> memref<512x32xf32, #tpu.memory_space<hbm>>
        tpu.wait_dma2 semaphore(%dma_wait3A_127 : memref<!tpu.dma_semaphore, #tpu.memory_space<semaphore_mem>>) src(%dma_wait3A_134 : memref<512x32xf32, #tpu.memory_space<hbm>>) dst(%dma_wait3A_131 : memref<512x32xf32, #tpu.memory_space<vmem>>)
      } else {
      }
      %add3A_84 = arith.constant 1 : i32
      %add3A_85 = arith.addi %scan3A_55, %add3A_84 : i32
      %lt3A_86 = arith.constant 40 : i32
      %lt3A_87 = arith.cmpi slt, %add3A_85, %lt3A_86 : i32
      %convert_element_type3A_88 = arith.extui %lt3A_87 : i1 to i32
      %cond3A_89 = arith.constant 0 : i32
      %cond3A_90 = arith.cmpi ne, %convert_element_type3A_88, %cond3A_89 : i32
      scf.if %cond3A_90 {
        %add3A_119 = arith.constant 1 : i32
        %add3A_120 = arith.addi %scan3A_55, %add3A_119 : i32
        %jit3A_121 = arith.constant 2 : i32
        %eq3A_122 = arith.constant 0 : i32
        %eq3A_123 = arith.cmpi eq, %jit3A_121, %eq3A_122 : i32
        %jit3A_124 = arith.constant 1 : i32
        %select_n3A_125 = arith.select %eq3A_123, %jit3A_124, %jit3A_121 : i32
        %rem3A_126 = arith.remsi %add3A_120, %select_n3A_125 : i32
        %ne3A_127 = arith.constant 0 : i32
        %ne3A_128 = arith.cmpi ne, %rem3A_126, %ne3A_127 : i32
        %lt3A_129 = arith.constant 0 : i32
        %lt3A_130 = arith.cmpi slt, %rem3A_126, %lt3A_129 : i32
        %lt3A_131 = arith.constant 0 : i32
        %lt3A_132 = arith.cmpi slt, %select_n3A_125, %lt3A_131 : i32
        %ne3A_133 = arith.xori %lt3A_130, %lt3A_132 : i1
        %and3A_134 = arith.andi %ne3A_133, %ne3A_128 : i1
        %add3A_135 = arith.addi %rem3A_126, %select_n3A_125 : i32
        %select_n3A_136 = arith.select %and3A_134, %add3A_135, %rem3A_126 : i32
        %dma_start3A_137 = arith.constant 0 : i32
        %dma_start3A_138 = arith.constant 0 : i32
        %dma_start3A_139 = tpu.memref_slice %arg7[%select_n3A_136, %dma_start3A_137, %dma_start3A_138] : memref<2x512x32xf32, #tpu.memory_space<vmem>> -> memref<1x512x32xf32, #tpu.memory_space<vmem>>
        %dma_start3A_140 = tpu.memref_squeeze %dma_start3A_139 : memref<1x512x32xf32, #tpu.memory_space<vmem>> -> memref<512x32xf32, #tpu.memory_space<vmem>>
        %dma_start3A_141 = arith.constant 0 : i32
        %dma_start3A_142 = tpu.memref_slice %arg5[%add3A_120, %dma_start3A_141] : memref<40x512xi32, #tpu.memory_space<vmem>> -> memref<1x512xi32, #tpu.memory_space<vmem>>
        %dma_start3A_143 = tpu.memref_squeeze %dma_start3A_142 : memref<1x512xi32, #tpu.memory_space<vmem>> -> memref<512xi32, #tpu.memory_space<vmem>>
        %dma_start3A_144 = arith.constant 0 : i32
        %dma_start3A_145 = arith.constant 0 : i32
        %dma_start3A_146 = tpu.memref_slice %arg8[%dma_start3A_144, %dma_start3A_145] : memref<10240x32xf32, #tpu.memory_space<vmem_shared>> -> memref<10240x32xf32, #tpu.memory_space<vmem_shared>>
        %dma_start3A_147 = tpu.memref_slice %arg10[%select_n3A_136] : memref<2x!tpu.dma_semaphore, #tpu.memory_space<semaphore_mem>> -> memref<1x!tpu.dma_semaphore, #tpu.memory_space<semaphore_mem>>
        %dma_start3A_148 = tpu.memref_squeeze %dma_start3A_147 : memref<1x!tpu.dma_semaphore, #tpu.memory_space<semaphore_mem>> -> memref<!tpu.dma_semaphore, #tpu.memory_space<semaphore_mem>>
        tpu.enqueue_indirect_dma source(%dma_start3A_146 : memref<10240x32xf32, #tpu.memory_space<vmem_shared>>) target(%dma_start3A_140 : memref<512x32xf32, #tpu.memory_space<vmem>>) offsets(%dma_start3A_143 : memref<512xi32, #tpu.memory_space<vmem>>) semaphore(%dma_start3A_148 : memref<!tpu.dma_semaphore, #tpu.memory_space<semaphore_mem>>)
      } else {
      }
      %dma_wait3A_91 = arith.constant 0 : i32
      %dma_wait3A_92 = arith.constant 0 : i32
      %dma_wait3A_93 = tpu.memref_slice %arg7[%select_n3A_63, %dma_wait3A_91, %dma_wait3A_92] : memref<2x512x32xf32, #tpu.memory_space<vmem>> -> memref<1x512x32xf32, #tpu.memory_space<vmem>>
      %dma_wait3A_94 = tpu.memref_squeeze %dma_wait3A_93 : memref<1x512x32xf32, #tpu.memory_space<vmem>> -> memref<512x32xf32, #tpu.memory_space<vmem>>
      %dma_wait3A_95 = arith.constant 0 : i32
      %dma_wait3A_96 = arith.constant 0 : i32
      %dma_wait3A_97 = tpu.memref_slice %arg2[%dma_wait3A_95, %dma_wait3A_96] : memref<10240x64xf32, #tpu.memory_space<hbm>> -> memref<512x32xf32, #tpu.memory_space<hbm>>
      %dma_wait3A_98 = tpu.memref_slice %arg10[%select_n3A_63] : memref<2x!tpu.dma_semaphore, #tpu.memory_space<semaphore_mem>> -> memref<1x!tpu.dma_semaphore, #tpu.memory_space<semaphore_mem>>
      %dma_wait3A_99 = tpu.memref_squeeze %dma_wait3A_98 : memref<1x!tpu.dma_semaphore, #tpu.memory_space<semaphore_mem>> -> memref<!tpu.dma_semaphore, #tpu.memory_space<semaphore_mem>>
      %dma_wait3A_100 = arith.constant 0 : i32
      %dma_wait3A_101 = arith.constant 0 : i32
      %dma_wait3A_102 = tpu.memref_slice %arg7[%select_n3A_63, %dma_wait3A_100, %dma_wait3A_101] : memref<2x512x32xf32, #tpu.memory_space<vmem>> -> memref<1x512x32xf32, #tpu.memory_space<vmem>>
      %dma_wait3A_103 = tpu.memref_squeeze %dma_wait3A_102 : memref<1x512x32xf32, #tpu.memory_space<vmem>> -> memref<512x32xf32, #tpu.memory_space<vmem>>
      %dma_wait3A_104 = arith.constant 0 : i32
      %dma_wait3A_105 = arith.constant 0 : i32
      %dma_wait3A_106 = tpu.memref_slice %arg2[%dma_wait3A_104, %dma_wait3A_105] : memref<10240x64xf32, #tpu.memory_space<hbm>> -> memref<512x32xf32, #tpu.memory_space<hbm>>
      tpu.wait_dma2 semaphore(%dma_wait3A_99 : memref<!tpu.dma_semaphore, #tpu.memory_space<semaphore_mem>>) src(%dma_wait3A_106 : memref<512x32xf32, #tpu.memory_space<hbm>>) dst(%dma_wait3A_103 : memref<512x32xf32, #tpu.memory_space<vmem>>)
      %dma_start3A_107 = arith.constant 0 : i32
      %dma_start3A_108 = arith.constant 0 : i32
      %dma_start3A_109 = tpu.memref_slice %arg7[%select_n3A_63, %dma_start3A_107, %dma_start3A_108] : memref<2x512x32xf32, #tpu.memory_space<vmem>> -> memref<1x512x32xf32, #tpu.memory_space<vmem>>
      %dma_start3A_110 = tpu.memref_squeeze %dma_start3A_109 : memref<1x512x32xf32, #tpu.memory_space<vmem>> -> memref<512x32xf32, #tpu.memory_space<vmem>>
      %dma_start3A_111 = arith.constant 0 : i32
      %dma_start3A_112 = tpu.memref_slice %arg6[%scan3A_55, %dma_start3A_111] : memref<40x512xi32, #tpu.memory_space<vmem>> -> memref<1x512xi32, #tpu.memory_space<vmem>>
      %dma_start3A_113 = tpu.memref_squeeze %dma_start3A_112 : memref<1x512xi32, #tpu.memory_space<vmem>> -> memref<512xi32, #tpu.memory_space<vmem>>
      %dma_start3A_114 = arith.constant 0 : i32
      %dma_start3A_115 = arith.constant 0 : i32
      %dma_start3A_116 = tpu.memref_slice %arg9[%dma_start3A_114, %dma_start3A_115] : memref<10240x32xf32, #tpu.memory_space<vmem_shared>> -> memref<10240x32xf32, #tpu.memory_space<vmem_shared>>
      %dma_start3A_117 = tpu.memref_slice %arg11[%select_n3A_63] : memref<2x!tpu.dma_semaphore, #tpu.memory_space<semaphore_mem>> -> memref<1x!tpu.dma_semaphore, #tpu.memory_space<semaphore_mem>>
      %dma_start3A_118 = tpu.memref_squeeze %dma_start3A_117 : memref<1x!tpu.dma_semaphore, #tpu.memory_space<semaphore_mem>> -> memref<!tpu.dma_semaphore, #tpu.memory_space<semaphore_mem>>
      tpu.enqueue_indirect_dma source(%dma_start3A_110 : memref<512x32xf32, #tpu.memory_space<vmem>>) target(%dma_start3A_116 : memref<10240x32xf32, #tpu.memory_space<vmem_shared>>) offsets(%dma_start3A_113 : memref<512xi32, #tpu.memory_space<vmem>>) semaphore(%dma_start3A_118 : memref<!tpu.dma_semaphore, #tpu.memory_space<semaphore_mem>>) {add = true}
    }
    %scan3A_30 = arith.constant 40 : i32
    %dma_wait3A = arith.constant 1 : i32
    %dma_wait3A_31 = arith.constant 1 : i32
    %dma_wait3A_32 = arith.constant 0 : i32
    %dma_wait3A_33 = arith.constant 0 : i32
    %dma_wait3A_34 = tpu.memref_slice %arg7[%dma_wait3A, %dma_wait3A_32, %dma_wait3A_33] : memref<2x512x32xf32, #tpu.memory_space<vmem>> -> memref<1x512x32xf32, #tpu.memory_space<vmem>>
    %dma_wait3A_35 = tpu.memref_squeeze %dma_wait3A_34 : memref<1x512x32xf32, #tpu.memory_space<vmem>> -> memref<512x32xf32, #tpu.memory_space<vmem>>
    %dma_wait3A_36 = arith.constant 0 : i32
    %dma_wait3A_37 = arith.constant 0 : i32
    %dma_wait3A_38 = tpu.memref_slice %arg2[%dma_wait3A_36, %dma_wait3A_37] : memref<10240x64xf32, #tpu.memory_space<hbm>> -> memref<512x32xf32, #tpu.memory_space<hbm>>
    %dma_wait3A_39 = tpu.memref_slice %arg11[%dma_wait3A_31] : memref<2x!tpu.dma_semaphore, #tpu.memory_space<semaphore_mem>> -> memref<1x!tpu.dma_semaphore, #tpu.memory_space<semaphore_mem>>
    %dma_wait3A_40 = tpu.memref_squeeze %dma_wait3A_39 : memref<1x!tpu.dma_semaphore, #tpu.memory_space<semaphore_mem>> -> memref<!tpu.dma_semaphore, #tpu.memory_space<semaphore_mem>>
    %dma_wait3A_41 = arith.constant 0 : i32
    %dma_wait3A_42 = arith.constant 0 : i32
    %dma_wait3A_43 = tpu.memref_slice %arg7[%dma_wait3A, %dma_wait3A_41, %dma_wait3A_42] : memref<2x512x32xf32, #tpu.memory_space<vmem>> -> memref<1x512x32xf32, #tpu.memory_space<vmem>>
    %dma_wait3A_44 = tpu.memref_squeeze %dma_wait3A_43 : memref<1x512x32xf32, #tpu.memory_space<vmem>> -> memref<512x32xf32, #tpu.memory_space<vmem>>
    %dma_wait3A_45 = arith.constant 0 : i32
    %dma_wait3A_46 = arith.constant 0 : i32
    %dma_wait3A_47 = tpu.memref_slice %arg2[%dma_wait3A_45, %dma_wait3A_46] : memref<10240x64xf32, #tpu.memory_space<hbm>> -> memref<512x32xf32, #tpu.memory_space<hbm>>
    tpu.wait_dma2 semaphore(%dma_wait3A_40 : memref<!tpu.dma_semaphore, #tpu.memory_space<semaphore_mem>>) src(%dma_wait3A_47 : memref<512x32xf32, #tpu.memory_space<hbm>>) dst(%dma_wait3A_44 : memref<512x32xf32, #tpu.memory_space<vmem>>)
    %barrier3A_48 = arith.constant 0 : index
    tpu.barrier barrier_id(%barrier3A_48)
    %mul3A_49 = arith.constant 640 : i32
    %mul3A_50 = arith.muli %arg1, %mul3A_49 : i32
    %mul3A_51 = arith.constant 640 : i32
    %mul3A_52 = arith.muli %arg1, %mul3A_51 : i32
    %mul3A_53 = arith.constant 32 : i32
    %mul3A_54 = arith.muli %arg0, %mul3A_53 : i32
    "tpu.region"() ({
      %run_scoped3A_55 = tpu.sem_alloc : memref<!tpu.dma_semaphore, #tpu.memory_space<semaphore_mem>>
      %dma_start3A_56 = tpu.memref_slice %arg4[%mul3A_52, %mul3A_54] : memref<10240x64xf32, #tpu.memory_space<hbm>> -> memref<640x32xf32, #tpu.memory_space<hbm>>
      %dma_start3A_57 = arith.constant 0 : i32
      %dma_start3A_58 = tpu.memref_slice %arg9[%mul3A_50, %dma_start3A_57] : memref<10240x32xf32, #tpu.memory_space<vmem_shared>> -> memref<640x32xf32, #tpu.memory_space<vmem_shared>>
      tpu.enqueue_dma source(%dma_start3A_58 : memref<640x32xf32, #tpu.memory_space<vmem_shared>>) target(%dma_start3A_56 : memref<640x32xf32, #tpu.memory_space<hbm>>) target_semaphore(%run_scoped3A_55 : memref<!tpu.dma_semaphore, #tpu.memory_space<semaphore_mem>>)
      %dma_wait3A_59 = tpu.memref_slice %arg4[%mul3A_52, %mul3A_54] : memref<10240x64xf32, #tpu.memory_space<hbm>> -> memref<640x32xf32, #tpu.memory_space<hbm>>
      %dma_wait3A_60 = arith.constant 0 : i32
      %dma_wait3A_61 = tpu.memref_slice %arg9[%mul3A_50, %dma_wait3A_60] : memref<10240x32xf32, #tpu.memory_space<vmem_shared>> -> memref<640x32xf32, #tpu.memory_space<vmem_shared>>
      tpu.wait_dma2 semaphore(%run_scoped3A_55 : memref<!tpu.dma_semaphore, #tpu.memory_space<semaphore_mem>>) src(%dma_wait3A_61 : memref<640x32xf32, #tpu.memory_space<vmem_shared>>) dst(%dma_wait3A_59 : memref<640x32xf32, #tpu.memory_space<hbm>>)
      tpu.yield
    }) : () -> ()
    return
  }
}

#map = affine_map<(d0, d1) -> (0, 0)>
#map1 = affine_map<(d0, d1) -> (0, 0, 0, 0)>
module attributes {stable_mosaic.version = 14 : i64} {
  func.func @_edge_pass(%arg0: i32, %arg1: i32, %arg2: memref<10240x64xf32, #tpu.memory_space<hbm>>, %arg3: memref<2x16x40x512xi32, #tpu.memory_space<hbm>>, %arg4: memref<10240x64xf32, #tpu.memory_space<hbm>>, %arg5: memref<40x512xi32, #tpu.memory_space<vmem>>, %arg6: memref<40x512xi32, #tpu.memory_space<vmem>>, %arg7: memref<2x512x32xf32, #tpu.memory_space<vmem>>, %arg8: memref<10240x32xf32, #tpu.memory_space<vmem_shared>>, %arg9: memref<10240x32xf32, #tpu.memory_space<vmem_shared>>, %arg10: memref<2x!tpu.dma_semaphore, #tpu.memory_space<semaphore_mem>>, %arg11: memref<2x!tpu.dma_semaphore, #tpu.memory_space<semaphore_mem>>) attributes {dimension_semantics = [#tpu.dimension_semantics<core_parallel>, #tpu.dimension_semantics<subcore_parallel>], iteration_bounds = array<i64: 2, 16>, scalar_prefetch = 0 : i64, scratch_operands = 7 : i64, tpu.core_type = #tpu.core_type<sc_vector_subcore>, window_params = [{transform_indices = #map}, {transform_indices = #map1}, {transform_indices = #map}]} {
    %mul3A = arith.constant 640 : i32
    %mul3A_0 = arith.muli %arg1, %mul3A : i32
    %mul3A_1 = arith.constant 32 : i32
    %mul3A_2 = arith.muli %arg0, %mul3A_1 : i32
    %mul3A_3 = arith.constant 640 : i32
    %mul3A_4 = arith.muli %arg1, %mul3A_3 : i32
    "tpu.region"() ({
      %run_scoped3A_55 = tpu.sem_alloc : memref<!tpu.dma_semaphore, #tpu.memory_space<semaphore_mem>>
      %dma_start3A_56 = arith.constant 0 : i32
      %dma_start3A_57 = tpu.memref_slice %arg9[%mul3A_4, %dma_start3A_56] : memref<10240x32xf32, #tpu.memory_space<vmem_shared>> -> memref<640x32xf32, #tpu.memory_space<vmem_shared>>
      %dma_start3A_58 = tpu.memref_slice %arg2[%mul3A_0, %mul3A_2] : memref<10240x64xf32, #tpu.memory_space<hbm>> -> memref<640x32xf32, #tpu.memory_space<hbm>>
      tpu.enqueue_dma source(%dma_start3A_58 : memref<640x32xf32, #tpu.memory_space<hbm>>) target(%dma_start3A_57 : memref<640x32xf32, #tpu.memory_space<vmem_shared>>) target_semaphore(%run_scoped3A_55 : memref<!tpu.dma_semaphore, #tpu.memory_space<semaphore_mem>>)
      %dma_wait3A_59 = arith.constant 0 : i32
      %dma_wait3A_60 = tpu.memref_slice %arg9[%mul3A_4, %dma_wait3A_59] : memref<10240x32xf32, #tpu.memory_space<vmem_shared>> -> memref<640x32xf32, #tpu.memory_space<vmem_shared>>
      %dma_wait3A_61 = tpu.memref_slice %arg2[%mul3A_0, %mul3A_2] : memref<10240x64xf32, #tpu.memory_space<hbm>> -> memref<640x32xf32, #tpu.memory_space<hbm>>
      tpu.wait_dma2 semaphore(%run_scoped3A_55 : memref<!tpu.dma_semaphore, #tpu.memory_space<semaphore_mem>>) src(%dma_wait3A_61 : memref<640x32xf32, #tpu.memory_space<hbm>>) dst(%dma_wait3A_60 : memref<640x32xf32, #tpu.memory_space<vmem_shared>>)
      tpu.yield
    }) : () -> ()
    %mul3A_5 = arith.constant 640 : i32
    %mul3A_6 = arith.muli %arg1, %mul3A_5 : i32
    %mul3A_7 = arith.constant 32 : i32
    %mul3A_8 = arith.muli %arg0, %mul3A_7 : i32
    %mul3A_9 = arith.constant 640 : i32
    %mul3A_10 = arith.muli %arg1, %mul3A_9 : i32
    "tpu.region"() ({
      %run_scoped3A_55 = tpu.sem_alloc : memref<!tpu.dma_semaphore, #tpu.memory_space<semaphore_mem>>
      %dma_start3A_56 = arith.constant 0 : i32
      %dma_start3A_57 = tpu.memref_slice %arg8[%mul3A_10, %dma_start3A_56] : memref<10240x32xf32, #tpu.memory_space<vmem_shared>> -> memref<640x32xf32, #tpu.memory_space<vmem_shared>>
      %dma_start3A_58 = tpu.memref_slice %arg2[%mul3A_6, %mul3A_8] : memref<10240x64xf32, #tpu.memory_space<hbm>> -> memref<640x32xf32, #tpu.memory_space<hbm>>
      tpu.enqueue_dma source(%dma_start3A_58 : memref<640x32xf32, #tpu.memory_space<hbm>>) target(%dma_start3A_57 : memref<640x32xf32, #tpu.memory_space<vmem_shared>>) target_semaphore(%run_scoped3A_55 : memref<!tpu.dma_semaphore, #tpu.memory_space<semaphore_mem>>)
      %dma_wait3A_59 = arith.constant 0 : i32
      %dma_wait3A_60 = tpu.memref_slice %arg8[%mul3A_10, %dma_wait3A_59] : memref<10240x32xf32, #tpu.memory_space<vmem_shared>> -> memref<640x32xf32, #tpu.memory_space<vmem_shared>>
      %dma_wait3A_61 = tpu.memref_slice %arg2[%mul3A_6, %mul3A_8] : memref<10240x64xf32, #tpu.memory_space<hbm>> -> memref<640x32xf32, #tpu.memory_space<hbm>>
      tpu.wait_dma2 semaphore(%run_scoped3A_55 : memref<!tpu.dma_semaphore, #tpu.memory_space<semaphore_mem>>) src(%dma_wait3A_61 : memref<640x32xf32, #tpu.memory_space<hbm>>) dst(%dma_wait3A_60 : memref<640x32xf32, #tpu.memory_space<vmem_shared>>)
      tpu.yield
    }) : () -> ()
    %run_scoped3A = arith.constant 0 : i32
    "tpu.region"() ({
      %run_scoped3A_55 = tpu.sem_alloc : memref<!tpu.dma_semaphore, #tpu.memory_space<semaphore_mem>>
      %dma_start3A_56 = arith.constant 0 : i32
      %dma_start3A_57 = arith.constant 0 : i32
      %dma_start3A_58 = tpu.memref_slice %arg3[%run_scoped3A, %arg1, %dma_start3A_56, %dma_start3A_57] : memref<2x16x40x512xi32, #tpu.memory_space<hbm>> -> memref<1x1x40x512xi32, #tpu.memory_space<hbm>>
      %dma_start3A_59 = tpu.memref_squeeze %dma_start3A_58 : memref<1x1x40x512xi32, #tpu.memory_space<hbm>> -> memref<40x512xi32, #tpu.memory_space<hbm>>
      %dma_start3A_60 = arith.constant 0 : i32
      %dma_start3A_61 = arith.constant 0 : i32
      %dma_start3A_62 = tpu.memref_slice %arg3[%run_scoped3A, %arg1, %dma_start3A_60, %dma_start3A_61] : memref<2x16x40x512xi32, #tpu.memory_space<hbm>> -> memref<1x1x40x512xi32, #tpu.memory_space<hbm>>
      %dma_start3A_63 = tpu.memref_squeeze %dma_start3A_62 : memref<1x1x40x512xi32, #tpu.memory_space<hbm>> -> memref<40x512xi32, #tpu.memory_space<hbm>>
      tpu.enqueue_dma source(%dma_start3A_63 : memref<40x512xi32, #tpu.memory_space<hbm>>) target(%arg5 : memref<40x512xi32, #tpu.memory_space<vmem>>) target_semaphore(%run_scoped3A_55 : memref<!tpu.dma_semaphore, #tpu.memory_space<semaphore_mem>>)
      %dma_wait3A_64 = arith.constant 0 : i32
      %dma_wait3A_65 = arith.constant 0 : i32
      %dma_wait3A_66 = tpu.memref_slice %arg3[%run_scoped3A, %arg1, %dma_wait3A_64, %dma_wait3A_65] : memref<2x16x40x512xi32, #tpu.memory_space<hbm>> -> memref<1x1x40x512xi32, #tpu.memory_space<hbm>>
      %dma_wait3A_67 = tpu.memref_squeeze %dma_wait3A_66 : memref<1x1x40x512xi32, #tpu.memory_space<hbm>> -> memref<40x512xi32, #tpu.memory_space<hbm>>
      %dma_wait3A_68 = arith.constant 0 : i32
      %dma_wait3A_69 = arith.constant 0 : i32
      %dma_wait3A_70 = tpu.memref_slice %arg3[%run_scoped3A, %arg1, %dma_wait3A_68, %dma_wait3A_69] : memref<2x16x40x512xi32, #tpu.memory_space<hbm>> -> memref<1x1x40x512xi32, #tpu.memory_space<hbm>>
      %dma_wait3A_71 = tpu.memref_squeeze %dma_wait3A_70 : memref<1x1x40x512xi32, #tpu.memory_space<hbm>> -> memref<40x512xi32, #tpu.memory_space<hbm>>
      tpu.wait_dma2 semaphore(%run_scoped3A_55 : memref<!tpu.dma_semaphore, #tpu.memory_space<semaphore_mem>>) src(%dma_wait3A_71 : memref<40x512xi32, #tpu.memory_space<hbm>>) dst(%arg5 : memref<40x512xi32, #tpu.memory_space<vmem>>)
      tpu.yield
    }) : () -> ()
    %run_scoped3A_11 = arith.constant 1 : i32
    "tpu.region"() ({
      %run_scoped3A_55 = tpu.sem_alloc : memref<!tpu.dma_semaphore, #tpu.memory_space<semaphore_mem>>
      %dma_start3A_56 = arith.constant 0 : i32
      %dma_start3A_57 = arith.constant 0 : i32
      %dma_start3A_58 = tpu.memref_slice %arg3[%run_scoped3A_11, %arg1, %dma_start3A_56, %dma_start3A_57] : memref<2x16x40x512xi32, #tpu.memory_space<hbm>> -> memref<1x1x40x512xi32, #tpu.memory_space<hbm>>
      %dma_start3A_59 = tpu.memref_squeeze %dma_start3A_58 : memref<1x1x40x512xi32, #tpu.memory_space<hbm>> -> memref<40x512xi32, #tpu.memory_space<hbm>>
      %dma_start3A_60 = arith.constant 0 : i32
      %dma_start3A_61 = arith.constant 0 : i32
      %dma_start3A_62 = tpu.memref_slice %arg3[%run_scoped3A_11, %arg1, %dma_start3A_60, %dma_start3A_61] : memref<2x16x40x512xi32, #tpu.memory_space<hbm>> -> memref<1x1x40x512xi32, #tpu.memory_space<hbm>>
      %dma_start3A_63 = tpu.memref_squeeze %dma_start3A_62 : memref<1x1x40x512xi32, #tpu.memory_space<hbm>> -> memref<40x512xi32, #tpu.memory_space<hbm>>
      tpu.enqueue_dma source(%dma_start3A_63 : memref<40x512xi32, #tpu.memory_space<hbm>>) target(%arg6 : memref<40x512xi32, #tpu.memory_space<vmem>>) target_semaphore(%run_scoped3A_55 : memref<!tpu.dma_semaphore, #tpu.memory_space<semaphore_mem>>)
      %dma_wait3A_64 = arith.constant 0 : i32
      %dma_wait3A_65 = arith.constant 0 : i32
      %dma_wait3A_66 = tpu.memref_slice %arg3[%run_scoped3A_11, %arg1, %dma_wait3A_64, %dma_wait3A_65] : memref<2x16x40x512xi32, #tpu.memory_space<hbm>> -> memref<1x1x40x512xi32, #tpu.memory_space<hbm>>
      %dma_wait3A_67 = tpu.memref_squeeze %dma_wait3A_66 : memref<1x1x40x512xi32, #tpu.memory_space<hbm>> -> memref<40x512xi32, #tpu.memory_space<hbm>>
      %dma_wait3A_68 = arith.constant 0 : i32
      %dma_wait3A_69 = arith.constant 0 : i32
      %dma_wait3A_70 = tpu.memref_slice %arg3[%run_scoped3A_11, %arg1, %dma_wait3A_68, %dma_wait3A_69] : memref<2x16x40x512xi32, #tpu.memory_space<hbm>> -> memref<1x1x40x512xi32, #tpu.memory_space<hbm>>
      %dma_wait3A_71 = tpu.memref_squeeze %dma_wait3A_70 : memref<1x1x40x512xi32, #tpu.memory_space<hbm>> -> memref<40x512xi32, #tpu.memory_space<hbm>>
      tpu.wait_dma2 semaphore(%run_scoped3A_55 : memref<!tpu.dma_semaphore, #tpu.memory_space<semaphore_mem>>) src(%dma_wait3A_71 : memref<40x512xi32, #tpu.memory_space<hbm>>) dst(%arg6 : memref<40x512xi32, #tpu.memory_space<vmem>>)
      tpu.yield
    }) : () -> ()
    %barrier3A = arith.constant 0 : index
    tpu.barrier barrier_id(%barrier3A)
    %dma_start3A = arith.constant 0 : i32
    %dma_start3A_12 = arith.constant 0 : i32
    %dma_start3A_13 = arith.constant 0 : i32
    %dma_start3A_14 = arith.constant 0 : i32
    %dma_start3A_15 = arith.constant 0 : i32
    %dma_start3A_16 = tpu.memref_slice %arg7[%dma_start3A_12, %dma_start3A_14, %dma_start3A_15] : memref<2x512x32xf32, #tpu.memory_space<vmem>> -> memref<1x512x32xf32, #tpu.memory_space<vmem>>
    %dma_start3A_17 = tpu.memref_squeeze %dma_start3A_16 : memref<1x512x32xf32, #tpu.memory_space<vmem>> -> memref<512x32xf32, #tpu.memory_space<vmem>>
    %dma_start3A_18 = arith.constant 0 : i32
    %dma_start3A_19 = tpu.memref_slice %arg5[%dma_start3A, %dma_start3A_18] : memref<40x512xi32, #tpu.memory_space<vmem>> -> memref<1x512xi32, #tpu.memory_space<vmem>>
    %dma_start3A_20 = tpu.memref_squeeze %dma_start3A_19 : memref<1x512xi32, #tpu.memory_space<vmem>> -> memref<512xi32, #tpu.memory_space<vmem>>
    %dma_start3A_21 = arith.constant 0 : i32
    %dma_start3A_22 = arith.constant 0 : i32
    %dma_start3A_23 = tpu.memref_slice %arg8[%dma_start3A_21, %dma_start3A_22] : memref<10240x32xf32, #tpu.memory_space<vmem_shared>> -> memref<10240x32xf32, #tpu.memory_space<vmem_shared>>
    %dma_start3A_24 = tpu.memref_slice %arg10[%dma_start3A_13] : memref<2x!tpu.dma_semaphore, #tpu.memory_space<semaphore_mem>> -> memref<1x!tpu.dma_semaphore, #tpu.memory_space<semaphore_mem>>
    %dma_start3A_25 = tpu.memref_squeeze %dma_start3A_24 : memref<1x!tpu.dma_semaphore, #tpu.memory_space<semaphore_mem>> -> memref<!tpu.dma_semaphore, #tpu.memory_space<semaphore_mem>>
    tpu.enqueue_indirect_dma source(%dma_start3A_23 : memref<10240x32xf32, #tpu.memory_space<vmem_shared>>) target(%dma_start3A_17 : memref<512x32xf32, #tpu.memory_space<vmem>>) offsets(%dma_start3A_20 : memref<512xi32, #tpu.memory_space<vmem>>) semaphore(%dma_start3A_25 : memref<!tpu.dma_semaphore, #tpu.memory_space<semaphore_mem>>)
    %scan3A = arith.constant 0 : i32
    %scan3A_26 = arith.constant 0 : i32
    %scan3A_27 = arith.constant 40 : i32
    %scan3A_28 = arith.addi %scan3A_26, %scan3A_27 : i32
    %scan3A_29 = arith.constant 1 : i32
    scf.for %scan3A_55 = %scan3A_26 to %scan3A_28 step %scan3A_29  : i32 {
      %jit3A = arith.constant 2 : i32
      %eq3A = arith.constant 0 : i32
      %eq3A_56 = arith.cmpi eq, %jit3A, %eq3A : i32
      %jit3A_57 = arith.constant 1 : i32
      %select_n3A = arith.select %eq3A_56, %jit3A_57, %jit3A : i32
      %rem3A = arith.remsi %scan3A_55, %select_n3A : i32
      %ne3A = arith.constant 0 : i32
      %ne3A_58 = arith.cmpi ne, %rem3A, %ne3A : i32
      %lt3A = arith.constant 0 : i32
      %lt3A_59 = arith.cmpi slt, %rem3A, %lt3A : i32
      %lt3A_60 = arith.constant 0 : i32
      %lt3A_61 = arith.cmpi slt, %select_n3A, %lt3A_60 : i32
      %ne3A_62 = arith.xori %lt3A_59, %lt3A_61 : i1
      %and3A = arith.andi %ne3A_62, %ne3A_58 : i1
      %add3A = arith.addi %rem3A, %select_n3A : i32
      %select_n3A_63 = arith.select %and3A, %add3A, %rem3A : i32
      %add3A_64 = arith.constant 1 : i32
      %add3A_65 = arith.addi %scan3A_55, %add3A_64 : i32
      %jit3A_66 = arith.constant 2 : i32
      %eq3A_67 = arith.constant 0 : i32
      %eq3A_68 = arith.cmpi eq, %jit3A_66, %eq3A_67 : i32
      %jit3A_69 = arith.constant 1 : i32
      %select_n3A_70 = arith.select %eq3A_68, %jit3A_69, %jit3A_66 : i32
      %rem3A_71 = arith.remsi %add3A_65, %select_n3A_70 : i32
      %ne3A_72 = arith.constant 0 : i32
      %ne3A_73 = arith.cmpi ne, %rem3A_71, %ne3A_72 : i32
      %lt3A_74 = arith.constant 0 : i32
      %lt3A_75 = arith.cmpi slt, %rem3A_71, %lt3A_74 : i32
      %lt3A_76 = arith.constant 0 : i32
      %lt3A_77 = arith.cmpi slt, %select_n3A_70, %lt3A_76 : i32
      %ne3A_78 = arith.xori %lt3A_75, %lt3A_77 : i1
      %and3A_79 = arith.andi %ne3A_78, %ne3A_73 : i1
      %add3A_80 = arith.addi %rem3A_71, %select_n3A_70 : i32
      %select_n3A_81 = arith.select %and3A_79, %add3A_80, %rem3A_71 : i32
      %ge3A = arith.constant 1 : i32
      %ge3A_82 = arith.cmpi sge, %scan3A_55, %ge3A : i32
      %convert_element_type3A = arith.extui %ge3A_82 : i1 to i32
      %cond3A = arith.constant 0 : i32
      %cond3A_83 = arith.cmpi ne, %convert_element_type3A, %cond3A : i32
      scf.if %cond3A_83 {
        %dma_wait3A_119 = arith.constant 0 : i32
        %dma_wait3A_120 = arith.constant 0 : i32
        %dma_wait3A_121 = tpu.memref_slice %arg7[%select_n3A_81, %dma_wait3A_119, %dma_wait3A_120] : memref<2x512x32xf32, #tpu.memory_space<vmem>> -> memref<1x512x32xf32, #tpu.memory_space<vmem>>
        %dma_wait3A_122 = tpu.memref_squeeze %dma_wait3A_121 : memref<1x512x32xf32, #tpu.memory_space<vmem>> -> memref<512x32xf32, #tpu.memory_space<vmem>>
        %dma_wait3A_123 = arith.constant 0 : i32
        %dma_wait3A_124 = arith.constant 0 : i32
        %dma_wait3A_125 = tpu.memref_slice %arg2[%dma_wait3A_123, %dma_wait3A_124] : memref<10240x64xf32, #tpu.memory_space<hbm>> -> memref<512x32xf32, #tpu.memory_space<hbm>>
        %dma_wait3A_126 = tpu.memref_slice %arg11[%select_n3A_81] : memref<2x!tpu.dma_semaphore, #tpu.memory_space<semaphore_mem>> -> memref<1x!tpu.dma_semaphore, #tpu.memory_space<semaphore_mem>>
        %dma_wait3A_127 = tpu.memref_squeeze %dma_wait3A_126 : memref<1x!tpu.dma_semaphore, #tpu.memory_space<semaphore_mem>> -> memref<!tpu.dma_semaphore, #tpu.memory_space<semaphore_mem>>
        %dma_wait3A_128 = arith.constant 0 : i32
        %dma_wait3A_129 = arith.constant 0 : i32
        %dma_wait3A_130 = tpu.memref_slice %arg7[%select_n3A_81, %dma_wait3A_128, %dma_wait3A_129] : memref<2x512x32xf32, #tpu.memory_space<vmem>> -> memref<1x512x32xf32, #tpu.memory_space<vmem>>
        %dma_wait3A_131 = tpu.memref_squeeze %dma_wait3A_130 : memref<1x512x32xf32, #tpu.memory_space<vmem>> -> memref<512x32xf32, #tpu.memory_space<vmem>>
        %dma_wait3A_132 = arith.constant 0 : i32
        %dma_wait3A_133 = arith.constant 0 : i32
        %dma_wait3A_134 = tpu.memref_slice %arg2[%dma_wait3A_132, %dma_wait3A_133] : memref<10240x64xf32, #tpu.memory_space<hbm>> -> memref<512x32xf32, #tpu.memory_space<hbm>>
        tpu.wait_dma2 semaphore(%dma_wait3A_127 : memref<!tpu.dma_semaphore, #tpu.memory_space<semaphore_mem>>) src(%dma_wait3A_134 : memref<512x32xf32, #tpu.memory_space<hbm>>) dst(%dma_wait3A_131 : memref<512x32xf32, #tpu.memory_space<vmem>>)
      } else {
      }
      %add3A_84 = arith.constant 1 : i32
      %add3A_85 = arith.addi %scan3A_55, %add3A_84 : i32
      %lt3A_86 = arith.constant 40 : i32
      %lt3A_87 = arith.cmpi slt, %add3A_85, %lt3A_86 : i32
      %convert_element_type3A_88 = arith.extui %lt3A_87 : i1 to i32
      %cond3A_89 = arith.constant 0 : i32
      %cond3A_90 = arith.cmpi ne, %convert_element_type3A_88, %cond3A_89 : i32
      scf.if %cond3A_90 {
        %add3A_119 = arith.constant 1 : i32
        %add3A_120 = arith.addi %scan3A_55, %add3A_119 : i32
        %jit3A_121 = arith.constant 2 : i32
        %eq3A_122 = arith.constant 0 : i32
        %eq3A_123 = arith.cmpi eq, %jit3A_121, %eq3A_122 : i32
        %jit3A_124 = arith.constant 1 : i32
        %select_n3A_125 = arith.select %eq3A_123, %jit3A_124, %jit3A_121 : i32
        %rem3A_126 = arith.remsi %add3A_120, %select_n3A_125 : i32
        %ne3A_127 = arith.constant 0 : i32
        %ne3A_128 = arith.cmpi ne, %rem3A_126, %ne3A_127 : i32
        %lt3A_129 = arith.constant 0 : i32
        %lt3A_130 = arith.cmpi slt, %rem3A_126, %lt3A_129 : i32
        %lt3A_131 = arith.constant 0 : i32
        %lt3A_132 = arith.cmpi slt, %select_n3A_125, %lt3A_131 : i32
        %ne3A_133 = arith.xori %lt3A_130, %lt3A_132 : i1
        %and3A_134 = arith.andi %ne3A_133, %ne3A_128 : i1
        %add3A_135 = arith.addi %rem3A_126, %select_n3A_125 : i32
        %select_n3A_136 = arith.select %and3A_134, %add3A_135, %rem3A_126 : i32
        %dma_start3A_137 = arith.constant 0 : i32
        %dma_start3A_138 = arith.constant 0 : i32
        %dma_start3A_139 = tpu.memref_slice %arg7[%select_n3A_136, %dma_start3A_137, %dma_start3A_138] : memref<2x512x32xf32, #tpu.memory_space<vmem>> -> memref<1x512x32xf32, #tpu.memory_space<vmem>>
        %dma_start3A_140 = tpu.memref_squeeze %dma_start3A_139 : memref<1x512x32xf32, #tpu.memory_space<vmem>> -> memref<512x32xf32, #tpu.memory_space<vmem>>
        %dma_start3A_141 = arith.constant 0 : i32
        %dma_start3A_142 = tpu.memref_slice %arg5[%add3A_120, %dma_start3A_141] : memref<40x512xi32, #tpu.memory_space<vmem>> -> memref<1x512xi32, #tpu.memory_space<vmem>>
        %dma_start3A_143 = tpu.memref_squeeze %dma_start3A_142 : memref<1x512xi32, #tpu.memory_space<vmem>> -> memref<512xi32, #tpu.memory_space<vmem>>
        %dma_start3A_144 = arith.constant 0 : i32
        %dma_start3A_145 = arith.constant 0 : i32
        %dma_start3A_146 = tpu.memref_slice %arg8[%dma_start3A_144, %dma_start3A_145] : memref<10240x32xf32, #tpu.memory_space<vmem_shared>> -> memref<10240x32xf32, #tpu.memory_space<vmem_shared>>
        %dma_start3A_147 = tpu.memref_slice %arg10[%select_n3A_136] : memref<2x!tpu.dma_semaphore, #tpu.memory_space<semaphore_mem>> -> memref<1x!tpu.dma_semaphore, #tpu.memory_space<semaphore_mem>>
        %dma_start3A_148 = tpu.memref_squeeze %dma_start3A_147 : memref<1x!tpu.dma_semaphore, #tpu.memory_space<semaphore_mem>> -> memref<!tpu.dma_semaphore, #tpu.memory_space<semaphore_mem>>
        tpu.enqueue_indirect_dma source(%dma_start3A_146 : memref<10240x32xf32, #tpu.memory_space<vmem_shared>>) target(%dma_start3A_140 : memref<512x32xf32, #tpu.memory_space<vmem>>) offsets(%dma_start3A_143 : memref<512xi32, #tpu.memory_space<vmem>>) semaphore(%dma_start3A_148 : memref<!tpu.dma_semaphore, #tpu.memory_space<semaphore_mem>>)
      } else {
      }
      %dma_wait3A_91 = arith.constant 0 : i32
      %dma_wait3A_92 = arith.constant 0 : i32
      %dma_wait3A_93 = tpu.memref_slice %arg7[%select_n3A_63, %dma_wait3A_91, %dma_wait3A_92] : memref<2x512x32xf32, #tpu.memory_space<vmem>> -> memref<1x512x32xf32, #tpu.memory_space<vmem>>
      %dma_wait3A_94 = tpu.memref_squeeze %dma_wait3A_93 : memref<1x512x32xf32, #tpu.memory_space<vmem>> -> memref<512x32xf32, #tpu.memory_space<vmem>>
      %dma_wait3A_95 = arith.constant 0 : i32
      %dma_wait3A_96 = arith.constant 0 : i32
      %dma_wait3A_97 = tpu.memref_slice %arg2[%dma_wait3A_95, %dma_wait3A_96] : memref<10240x64xf32, #tpu.memory_space<hbm>> -> memref<512x32xf32, #tpu.memory_space<hbm>>
      %dma_wait3A_98 = tpu.memref_slice %arg10[%select_n3A_63] : memref<2x!tpu.dma_semaphore, #tpu.memory_space<semaphore_mem>> -> memref<1x!tpu.dma_semaphore, #tpu.memory_space<semaphore_mem>>
      %dma_wait3A_99 = tpu.memref_squeeze %dma_wait3A_98 : memref<1x!tpu.dma_semaphore, #tpu.memory_space<semaphore_mem>> -> memref<!tpu.dma_semaphore, #tpu.memory_space<semaphore_mem>>
      %dma_wait3A_100 = arith.constant 0 : i32
      %dma_wait3A_101 = arith.constant 0 : i32
      %dma_wait3A_102 = tpu.memref_slice %arg7[%select_n3A_63, %dma_wait3A_100, %dma_wait3A_101] : memref<2x512x32xf32, #tpu.memory_space<vmem>> -> memref<1x512x32xf32, #tpu.memory_space<vmem>>
      %dma_wait3A_103 = tpu.memref_squeeze %dma_wait3A_102 : memref<1x512x32xf32, #tpu.memory_space<vmem>> -> memref<512x32xf32, #tpu.memory_space<vmem>>
      %dma_wait3A_104 = arith.constant 0 : i32
      %dma_wait3A_105 = arith.constant 0 : i32
      %dma_wait3A_106 = tpu.memref_slice %arg2[%dma_wait3A_104, %dma_wait3A_105] : memref<10240x64xf32, #tpu.memory_space<hbm>> -> memref<512x32xf32, #tpu.memory_space<hbm>>
      tpu.wait_dma2 semaphore(%dma_wait3A_99 : memref<!tpu.dma_semaphore, #tpu.memory_space<semaphore_mem>>) src(%dma_wait3A_106 : memref<512x32xf32, #tpu.memory_space<hbm>>) dst(%dma_wait3A_103 : memref<512x32xf32, #tpu.memory_space<vmem>>)
      %dma_start3A_107 = arith.constant 0 : i32
      %dma_start3A_108 = arith.constant 0 : i32
      %dma_start3A_109 = tpu.memref_slice %arg7[%select_n3A_63, %dma_start3A_107, %dma_start3A_108] : memref<2x512x32xf32, #tpu.memory_space<vmem>> -> memref<1x512x32xf32, #tpu.memory_space<vmem>>
      %dma_start3A_110 = tpu.memref_squeeze %dma_start3A_109 : memref<1x512x32xf32, #tpu.memory_space<vmem>> -> memref<512x32xf32, #tpu.memory_space<vmem>>
      %dma_start3A_111 = arith.constant 0 : i32
      %dma_start3A_112 = tpu.memref_slice %arg6[%scan3A_55, %dma_start3A_111] : memref<40x512xi32, #tpu.memory_space<vmem>> -> memref<1x512xi32, #tpu.memory_space<vmem>>
      %dma_start3A_113 = tpu.memref_squeeze %dma_start3A_112 : memref<1x512xi32, #tpu.memory_space<vmem>> -> memref<512xi32, #tpu.memory_space<vmem>>
      %dma_start3A_114 = arith.constant 0 : i32
      %dma_start3A_115 = arith.constant 0 : i32
      %dma_start3A_116 = tpu.memref_slice %arg9[%dma_start3A_114, %dma_start3A_115] : memref<10240x32xf32, #tpu.memory_space<vmem_shared>> -> memref<10240x32xf32, #tpu.memory_space<vmem_shared>>
      %dma_start3A_117 = tpu.memref_slice %arg11[%select_n3A_63] : memref<2x!tpu.dma_semaphore, #tpu.memory_space<semaphore_mem>> -> memref<1x!tpu.dma_semaphore, #tpu.memory_space<semaphore_mem>>
      %dma_start3A_118 = tpu.memref_squeeze %dma_start3A_117 : memref<1x!tpu.dma_semaphore, #tpu.memory_space<semaphore_mem>> -> memref<!tpu.dma_semaphore, #tpu.memory_space<semaphore_mem>>
      tpu.enqueue_indirect_dma source(%dma_start3A_110 : memref<512x32xf32, #tpu.memory_space<vmem>>) target(%dma_start3A_116 : memref<10240x32xf32, #tpu.memory_space<vmem_shared>>) offsets(%dma_start3A_113 : memref<512xi32, #tpu.memory_space<vmem>>) semaphore(%dma_start3A_118 : memref<!tpu.dma_semaphore, #tpu.memory_space<semaphore_mem>>) {add = true}
    }
    %scan3A_30 = arith.constant 40 : i32
    %dma_wait3A = arith.constant 1 : i32
    %dma_wait3A_31 = arith.constant 1 : i32
    %dma_wait3A_32 = arith.constant 0 : i32
    %dma_wait3A_33 = arith.constant 0 : i32
    %dma_wait3A_34 = tpu.memref_slice %arg7[%dma_wait3A, %dma_wait3A_32, %dma_wait3A_33] : memref<2x512x32xf32, #tpu.memory_space<vmem>> -> memref<1x512x32xf32, #tpu.memory_space<vmem>>
    %dma_wait3A_35 = tpu.memref_squeeze %dma_wait3A_34 : memref<1x512x32xf32, #tpu.memory_space<vmem>> -> memref<512x32xf32, #tpu.memory_space<vmem>>
    %dma_wait3A_36 = arith.constant 0 : i32
    %dma_wait3A_37 = arith.constant 0 : i32
    %dma_wait3A_38 = tpu.memref_slice %arg2[%dma_wait3A_36, %dma_wait3A_37] : memref<10240x64xf32, #tpu.memory_space<hbm>> -> memref<512x32xf32, #tpu.memory_space<hbm>>
    %dma_wait3A_39 = tpu.memref_slice %arg11[%dma_wait3A_31] : memref<2x!tpu.dma_semaphore, #tpu.memory_space<semaphore_mem>> -> memref<1x!tpu.dma_semaphore, #tpu.memory_space<semaphore_mem>>
    %dma_wait3A_40 = tpu.memref_squeeze %dma_wait3A_39 : memref<1x!tpu.dma_semaphore, #tpu.memory_space<semaphore_mem>> -> memref<!tpu.dma_semaphore, #tpu.memory_space<semaphore_mem>>
    %dma_wait3A_41 = arith.constant 0 : i32
    %dma_wait3A_42 = arith.constant 0 : i32
    %dma_wait3A_43 = tpu.memref_slice %arg7[%dma_wait3A, %dma_wait3A_41, %dma_wait3A_42] : memref<2x512x32xf32, #tpu.memory_space<vmem>> -> memref<1x512x32xf32, #tpu.memory_space<vmem>>
    %dma_wait3A_44 = tpu.memref_squeeze %dma_wait3A_43 : memref<1x512x32xf32, #tpu.memory_space<vmem>> -> memref<512x32xf32, #tpu.memory_space<vmem>>
    %dma_wait3A_45 = arith.constant 0 : i32
    %dma_wait3A_46 = arith.constant 0 : i32
    %dma_wait3A_47 = tpu.memref_slice %arg2[%dma_wait3A_45, %dma_wait3A_46] : memref<10240x64xf32, #tpu.memory_space<hbm>> -> memref<512x32xf32, #tpu.memory_space<hbm>>
    tpu.wait_dma2 semaphore(%dma_wait3A_40 : memref<!tpu.dma_semaphore, #tpu.memory_space<semaphore_mem>>) src(%dma_wait3A_47 : memref<512x32xf32, #tpu.memory_space<hbm>>) dst(%dma_wait3A_44 : memref<512x32xf32, #tpu.memory_space<vmem>>)
    %barrier3A_48 = arith.constant 0 : index
    tpu.barrier barrier_id(%barrier3A_48)
    %mul3A_49 = arith.constant 640 : i32
    %mul3A_50 = arith.muli %arg1, %mul3A_49 : i32
    %mul3A_51 = arith.constant 640 : i32
    %mul3A_52 = arith.muli %arg1, %mul3A_51 : i32
    %mul3A_53 = arith.constant 32 : i32
    %mul3A_54 = arith.muli %arg0, %mul3A_53 : i32
    "tpu.region"() ({
      %run_scoped3A_55 = tpu.sem_alloc : memref<!tpu.dma_semaphore, #tpu.memory_space<semaphore_mem>>
      %dma_start3A_56 = tpu.memref_slice %arg4[%mul3A_52, %mul3A_54] : memref<10240x64xf32, #tpu.memory_space<hbm>> -> memref<640x32xf32, #tpu.memory_space<hbm>>
      %dma_start3A_57 = arith.constant 0 : i32
      %dma_start3A_58 = tpu.memref_slice %arg9[%mul3A_50, %dma_start3A_57] : memref<10240x32xf32, #tpu.memory_space<vmem_shared>> -> memref<640x32xf32, #tpu.memory_space<vmem_shared>>
      tpu.enqueue_dma source(%dma_start3A_58 : memref<640x32xf32, #tpu.memory_space<vmem_shared>>) target(%dma_start3A_56 : memref<640x32xf32, #tpu.memory_space<hbm>>) target_semaphore(%run_scoped3A_55 : memref<!tpu.dma_semaphore, #tpu.memory_space<semaphore_mem>>)
      %dma_wait3A_59 = tpu.memref_slice %arg4[%mul3A_52, %mul3A_54] : memref<10240x64xf32, #tpu.memory_space<hbm>> -> memref<640x32xf32, #tpu.memory_space<hbm>>
      %dma_wait3A_60 = arith.constant 0 : i32
      %dma_wait3A_61 = tpu.memref_slice %arg9[%mul3A_50, %dma_wait3A_60] : memref<10240x32xf32, #tpu.memory_space<vmem_shared>> -> memref<640x32xf32, #tpu.memory_space<vmem_shared>>
      tpu.wait_dma2 semaphore(%run_scoped3A_55 : memref<!tpu.dma_semaphore, #tpu.memory_space<semaphore_mem>>) src(%dma_wait3A_61 : memref<640x32xf32, #tpu.memory_space<vmem_shared>>) dst(%dma_wait3A_59 : memref<640x32xf32, #tpu.memory_space<hbm>>)
      tpu.yield
    }) : () -> ()
    return
  }
}

module attributes {stable_mosaic.version = 14 : i64} {
  func.func @_tc_a0(%arg0: memref<10000x128xf32, #tpu.memory_space<vmem>>, %arg1: memref<128x64xf32, #tpu.memory_space<vmem>>, %arg2: memref<10000x64xf32, #tpu.memory_space<vmem>>) attributes {dimension_semantics = [], scalar_prefetch = 0 : i64, scratch_operands = 0 : i64, tpu.core_type = #tpu.core_type<tc>} {
    %get3A = arith.constant 0 : index
    %get3A_0 = arith.constant 0 : index
    %get3A_1 = vector.load %arg0[%get3A, %get3A_0] : memref<10000x128xf32, #tpu.memory_space<vmem>>, vector<10000x128xf32>
    %get3A_2 = arith.constant 0 : index
    %get3A_3 = arith.constant 0 : index
    %get3A_4 = vector.load %arg1[%get3A_2, %get3A_3] : memref<128x64xf32, #tpu.memory_space<vmem>>, vector<128x64xf32>
    %dot_general3A = arith.constant dense<0.000000e+00> : vector<10000x64xf32>
    %dot_general3A_5 = tpu.matmul %get3A_1, %get3A_4, %dot_general3A {dimension_numbers = #tpu.dot_dimension_numbers<[1], [0], [0], [1], [0, 0, 1, 1], [], []>, transpose_lhs_hint = false} : vector<10000x128xf32>, vector<128x64xf32>, vector<10000x64xf32> -> vector<10000x64xf32>
    %swap3A = arith.constant 0 : index
    %swap3A_6 = arith.constant 0 : index
    %swap3A_7 = vector.load %arg2[%swap3A, %swap3A_6] : memref<10000x64xf32, #tpu.memory_space<vmem>>, vector<10000x64xf32>
    tpu.vector_store %arg2[%swap3A, %swap3A_6], %dot_general3A_5 {strides = array<i32>} : memref<10000x64xf32, #tpu.memory_space<vmem>>, vector<10000x64xf32>,
    return
  }
}

module attributes {stable_mosaic.version = 14 : i64} {
  func.func @_tc_a1(%arg0: memref<2x10240x16xf32, #tpu.memory_space<vmem>>, %arg1: memref<10000x64xf32, #tpu.memory_space<vmem>>, %arg2: memref<10240x64xf32, #tpu.memory_space<vmem>>, %arg3: memref<10000x1xf32, #tpu.memory_space<vmem>>) attributes {dimension_semantics = [], scalar_prefetch = 0 : i64, scratch_operands = 0 : i64, tpu.core_type = #tpu.core_type<tc>} {
    %get3A = arith.constant 0 : index
    %get3A_0 = arith.constant 0 : index
    %get3A_1 = arith.constant 0 : index
    %get3A_2 = vector.load %arg0[%get3A, %get3A_0, %get3A_1] : memref<2x10240x16xf32, #tpu.memory_space<vmem>>, vector<1x10240x16xf32>
    %get3A_3 = vector.shape_cast %get3A_2 : vector<1x10240x16xf32> to vector<10240x16xf32>
    %get3A_4 = arith.constant 1 : index
    %get3A_5 = arith.constant 0 : index
    %get3A_6 = arith.constant 0 : index
    %get3A_7 = vector.load %arg0[%get3A_4, %get3A_5, %get3A_6] : memref<2x10240x16xf32, #tpu.memory_space<vmem>>, vector<1x10240x16xf32>
    %get3A_8 = vector.shape_cast %get3A_7 : vector<1x10240x16xf32> to vector<10240x16xf32>
    %add3A = arith.addf %get3A_3, %get3A_8 : vector<10240x16xf32>
    %slice3A = vector.extract_strided_slice %add3A {offsets = [0, 0], sizes = [10000, 1], strides = [1, 1]} : vector<10240x16xf32> to vector<10000x1xf32>
    %add3A_9 = arith.constant 1.000000e+00 : f32
    %add3A_10 = vector.broadcast %add3A_9 : f32 to vector<10000x1xf32>
    %add3A_11 = arith.addf %slice3A, %add3A_10 : vector<10000x1xf32>
    %rsqrt3A = math.rsqrt %add3A_11 : vector<10000x1xf32>
    %get3A_12 = arith.constant 0 : index
    %get3A_13 = arith.constant 0 : index
    %get3A_14 = vector.load %arg1[%get3A_12, %get3A_13] : memref<10000x64xf32, #tpu.memory_space<vmem>>, vector<10000x64xf32>
    %mul3A = vector.broadcast %rsqrt3A : vector<10000x1xf32> to vector<10000x64xf32>
    %mul3A_15 = arith.mulf %get3A_14, %mul3A : vector<10000x64xf32>
    %swap3A = arith.constant 0 : index
    %swap3A_16 = arith.constant 0 : index
    %swap3A_17 = vector.load %arg2[%swap3A, %swap3A_16] : memref<10240x64xf32, #tpu.memory_space<vmem>>, vector<10000x64xf32>
    tpu.vector_store %arg2[%swap3A, %swap3A_16], %mul3A_15 {strides = array<i32>} : memref<10240x64xf32, #tpu.memory_space<vmem>>, vector<10000x64xf32>,
    %broadcast_in_dim3A = arith.constant 0.000000e+00 : f32
    %broadcast_in_dim3A_18 = vector.broadcast %broadcast_in_dim3A : f32 to vector<240x64xf32>
    %swap3A_19 = arith.constant 10000 : index
    %swap3A_20 = arith.constant 0 : index
    %swap3A_21 = vector.load %arg2[%swap3A_19, %swap3A_20] : memref<10240x64xf32, #tpu.memory_space<vmem>>, vector<240x64xf32>
    tpu.vector_store %arg2[%swap3A_19, %swap3A_20], %broadcast_in_dim3A_18 {strides = array<i32>} : memref<10240x64xf32, #tpu.memory_space<vmem>>, vector<240x64xf32>,
    %swap3A_22 = arith.constant 0 : index
    %swap3A_23 = arith.constant 0 : index
    %swap3A_24 = vector.load %arg3[%swap3A_22, %swap3A_23] : memref<10000x1xf32, #tpu.memory_space<vmem>>, vector<10000x1xf32>
    tpu.vector_store %arg3[%swap3A_22, %swap3A_23], %rsqrt3A {strides = array<i32>} : memref<10000x1xf32, #tpu.memory_space<vmem>>, vector<10000x1xf32>,
    return
  }
}

module attributes {stable_mosaic.version = 14 : i64} {
  func.func @_tc_b0(%arg0: memref<128x128xf32, #tpu.memory_space<vmem>>, %arg1: memref<10000x1xi32, #tpu.memory_space<vmem>>, %arg2: memref<10000x128xf32, #tpu.memory_space<vmem>>) attributes {dimension_semantics = [], scalar_prefetch = 0 : i64, scratch_operands = 0 : i64, tpu.core_type = #tpu.core_type<tc>} {
    %get3A = arith.constant 0 : index
    %get3A_0 = arith.constant 0 : index
    %get3A_1 = vector.load %arg1[%get3A, %get3A_0] : memref<10000x1xi32, #tpu.memory_space<vmem>>, vector<10000x1xi32>
    %iota3A = tpu.iota {dimensions = array<i32: 1>} : vector<10000x128xi32>
    %eq3A = vector.broadcast %get3A_1 : vector<10000x1xi32> to vector<10000x128xi32>
    %eq3A_2 = arith.cmpi eq, %eq3A, %iota3A : vector<10000x128xi32>
    %convert_element_type3A = arith.extui %eq3A_2 : vector<10000x128xi1> to vector<10000x128xi32>
    %convert_element_type3A_3 = arith.sitofp %convert_element_type3A : vector<10000x128xi32> to vector<10000x128xf32>
    %get3A_4 = arith.constant 0 : index
    %get3A_5 = arith.constant 0 : index
    %get3A_6 = vector.load %arg0[%get3A_4, %get3A_5] : memref<128x128xf32, #tpu.memory_space<vmem>>, vector<128x128xf32>
    %dot_general3A = arith.constant dense<0.000000e+00> : vector<10000x128xf32>
    %dot_general3A_7 = tpu.matmul %convert_element_type3A_3, %get3A_6, %dot_general3A {dimension_numbers = #tpu.dot_dimension_numbers<[1], [0], [0], [1], [0, 0, 1, 1], [], []>, transpose_lhs_hint = false} : vector<10000x128xf32>, vector<128x128xf32>, vector<10000x128xf32> -> vector<10000x128xf32>
    %swap3A = arith.constant 0 : index
    %swap3A_8 = arith.constant 0 : index
    %swap3A_9 = vector.load %arg2[%swap3A, %swap3A_8] : memref<10000x128xf32, #tpu.memory_space<vmem>>, vector<10000x128xf32>
    tpu.vector_store %arg2[%swap3A, %swap3A_8], %dot_general3A_7 {strides = array<i32>} : memref<10000x128xf32, #tpu.memory_space<vmem>>, vector<10000x128xf32>,
    return
  }
}

module attributes {stable_mosaic.version = 14 : i64} {
  func.func @_tc_b1(%arg0: memref<10240x64xf32, #tpu.memory_space<vmem>>, %arg1: memref<10000x1xf32, #tpu.memory_space<vmem>>, %arg2: memref<1x64xf32, #tpu.memory_space<vmem>>, %arg3: memref<10000x128xf32, #tpu.memory_space<vmem>>, %arg4: memref<192x64xf32, #tpu.memory_space<vmem>>, %arg5: memref<10240x64xf32, #tpu.memory_space<vmem>>, %arg6: memref<10000x64xf32, #tpu.memory_space<vmem>>) attributes {dimension_semantics = [], scalar_prefetch = 0 : i64, scratch_operands = 0 : i64, tpu.core_type = #tpu.core_type<tc>} {
    %get3A = arith.constant 0 : index
    %get3A_0 = arith.constant 0 : index
    %get3A_1 = vector.load %arg1[%get3A, %get3A_0] : memref<10000x1xf32, #tpu.memory_space<vmem>>, vector<10000x1xf32>
    %get3A_2 = arith.constant 0 : index
    %get3A_3 = arith.constant 0 : index
    %get3A_4 = vector.load %arg0[%get3A_2, %get3A_3] : memref<10240x64xf32, #tpu.memory_space<vmem>>, vector<10000x64xf32>
    %mul3A = vector.broadcast %get3A_1 : vector<10000x1xf32> to vector<10000x64xf32>
    %mul3A_5 = arith.mulf %mul3A, %get3A_4 : vector<10000x64xf32>
    %get3A_6 = arith.constant 0 : index
    %get3A_7 = arith.constant 0 : index
    %get3A_8 = vector.load %arg2[%get3A_6, %get3A_7] : memref<1x64xf32, #tpu.memory_space<vmem>>, vector<1x64xf32>
    %add3A = vector.broadcast %get3A_8 : vector<1x64xf32> to vector<10000x64xf32>
    %add3A_9 = arith.addf %mul3A_5, %add3A : vector<10000x64xf32>
    %get3A_10 = arith.constant 0 : index
    %get3A_11 = arith.constant 0 : index
    %get3A_12 = vector.load %arg3[%get3A_10, %get3A_11] : memref<10000x128xf32, #tpu.memory_space<vmem>>, vector<10000x128xf32>
    %concatenate3A = tpu.concatenate %add3A_9, %get3A_12 in 1 : vector<10000x64xf32>, vector<10000x128xf32> -> vector<10000x192xf32>
    %max3A = arith.constant 0.000000e+00 : f32
    %max3A_13 = vector.broadcast %max3A : f32 to vector<10000x192xf32>
    %max3A_14 = arith.maximumf %concatenate3A, %max3A_13 : vector<10000x192xf32>
    %get3A_15 = arith.constant 0 : index
    %get3A_16 = arith.constant 0 : index
    %get3A_17 = vector.load %arg4[%get3A_15, %get3A_16] : memref<192x64xf32, #tpu.memory_space<vmem>>, vector<192x64xf32>
    %dot_general3A = arith.constant dense<0.000000e+00> : vector<10000x64xf32>
    %dot_general3A_18 = tpu.matmul %max3A_14, %get3A_17, %dot_general3A {dimension_numbers = #tpu.dot_dimension_numbers<[1], [0], [0], [1], [0, 0, 1, 1], [], []>, transpose_lhs_hint = false} : vector<10000x192xf32>, vector<192x64xf32>, vector<10000x64xf32> -> vector<10000x64xf32>
    %mul3A_19 = vector.broadcast %get3A_1 : vector<10000x1xf32> to vector<10000x64xf32>
    %mul3A_20 = arith.mulf %dot_general3A_18, %mul3A_19 : vector<10000x64xf32>
    %swap3A = arith.constant 0 : index
    %swap3A_21 = arith.constant 0 : index
    %swap3A_22 = vector.load %arg5[%swap3A, %swap3A_21] : memref<10240x64xf32, #tpu.memory_space<vmem>>, vector<10000x64xf32>
    tpu.vector_store %arg5[%swap3A, %swap3A_21], %mul3A_20 {strides = array<i32>} : memref<10240x64xf32, #tpu.memory_space<vmem>>, vector<10000x64xf32>,
    %broadcast_in_dim3A = arith.constant 0.000000e+00 : f32
    %broadcast_in_dim3A_23 = vector.broadcast %broadcast_in_dim3A : f32 to vector<240x64xf32>
    %swap3A_24 = arith.constant 10000 : index
    %swap3A_25 = arith.constant 0 : index
    %swap3A_26 = vector.load %arg5[%swap3A_24, %swap3A_25] : memref<10240x64xf32, #tpu.memory_space<vmem>>, vector<240x64xf32>
    tpu.vector_store %arg5[%swap3A_24, %swap3A_25], %broadcast_in_dim3A_23 {strides = array<i32>} : memref<10240x64xf32, #tpu.memory_space<vmem>>, vector<240x64xf32>,
    %swap3A_27 = arith.constant 0 : index
    %swap3A_28 = arith.constant 0 : index
    %swap3A_29 = vector.load %arg6[%swap3A_27, %swap3A_28] : memref<10000x64xf32, #tpu.memory_space<vmem>>, vector<10000x64xf32>
    tpu.vector_store %arg6[%swap3A_27, %swap3A_28], %add3A_9 {strides = array<i32>} : memref<10000x64xf32, #tpu.memory_space<vmem>>, vector<10000x64xf32>,
    return
  }
}

module attributes {stable_mosaic.version = 14 : i64} {
  func.func @_tc_c0(%arg0: memref<10000x64xf32, #tpu.memory_space<vmem>>, %arg1: memref<10000x1xi32, #tpu.memory_space<vmem>>, %arg2: memref<128x1xi32, #tpu.memory_space<vmem>>, %arg3: memref<10000x64xf32, #tpu.memory_space<vmem>>, %arg4: memref<128x1xf32, #tpu.memory_space<vmem>>) attributes {dimension_semantics = [], scalar_prefetch = 0 : i64, scratch_operands = 0 : i64, tpu.core_type = #tpu.core_type<tc>} {
    %get3A = arith.constant 0 : index
    %get3A_0 = arith.constant 0 : index
    %get3A_1 = vector.load %arg2[%get3A, %get3A_0] : memref<128x1xi32, #tpu.memory_space<vmem>>, vector<128x1xi32>
    %iota3A = tpu.iota {dimensions = array<i32: 1>} : vector<128x10000xi32>
    %eq3A = vector.broadcast %get3A_1 : vector<128x1xi32> to vector<128x10000xi32>
    %eq3A_2 = arith.cmpi eq, %eq3A, %iota3A : vector<128x10000xi32>
    %convert_element_type3A = arith.extui %eq3A_2 : vector<128x10000xi1> to vector<128x10000xi32>
    %convert_element_type3A_3 = arith.sitofp %convert_element_type3A : vector<128x10000xi32> to vector<128x10000xf32>
    %get3A_4 = arith.constant 0 : index
    %get3A_5 = arith.constant 0 : index
    %get3A_6 = vector.load %arg0[%get3A_4, %get3A_5] : memref<10000x64xf32, #tpu.memory_space<vmem>>, vector<10000x64xf32>
    %dot_general3A = arith.constant dense<0.000000e+00> : vector<128x64xf32>
    %dot_general3A_7 = tpu.matmul %convert_element_type3A_3, %get3A_6, %dot_general3A {dimension_numbers = #tpu.dot_dimension_numbers<[1], [0], [0], [1], [0, 0, 1, 1], [], []>, transpose_lhs_hint = false} : vector<128x10000xf32>, vector<10000x64xf32>, vector<128x64xf32> -> vector<128x64xf32>
    %get3A_8 = arith.constant 0 : index
    %get3A_9 = arith.constant 0 : index
    %get3A_10 = vector.load %arg1[%get3A_8, %get3A_9] : memref<10000x1xi32, #tpu.memory_space<vmem>>, vector<10000x1xi32>
    %iota3A_11 = tpu.iota {dimensions = array<i32: 1>} : vector<10000x128xi32>
    %eq3A_12 = vector.broadcast %get3A_10 : vector<10000x1xi32> to vector<10000x128xi32>
    %eq3A_13 = arith.cmpi eq, %eq3A_12, %iota3A_11 : vector<10000x128xi32>
    %convert_element_type3A_14 = arith.extui %eq3A_13 : vector<10000x128xi1> to vector<10000x128xi32>
    %convert_element_type3A_15 = arith.sitofp %convert_element_type3A_14 : vector<10000x128xi32> to vector<10000x128xf32>
    %dot_general3A_16 = arith.constant dense<0.000000e+00> : vector<10000x64xf32>
    %dot_general3A_17 = tpu.matmul %convert_element_type3A_15, %dot_general3A_7, %dot_general3A_16 {dimension_numbers = #tpu.dot_dimension_numbers<[1], [0], [0], [1], [0, 0, 1, 1], [], []>, transpose_lhs_hint = false} : vector<10000x128xf32>, vector<128x64xf32>, vector<10000x64xf32> -> vector<10000x64xf32>
    %swap3A = arith.constant 0 : index
    %swap3A_18 = arith.constant 0 : index
    %swap3A_19 = vector.load %arg3[%swap3A, %swap3A_18] : memref<10000x64xf32, #tpu.memory_space<vmem>>, vector<10000x64xf32>
    tpu.vector_store %arg3[%swap3A, %swap3A_18], %dot_general3A_17 {strides = array<i32>} : memref<10000x64xf32, #tpu.memory_space<vmem>>, vector<10000x64xf32>,
    %broadcast_in_dim3A = arith.constant 1.000000e+00 : f32
    %broadcast_in_dim3A_20 = vector.broadcast %broadcast_in_dim3A : f32 to vector<10000x1xf32>
    %dot_general3A_21 = arith.constant dense<0.000000e+00> : vector<128x1xf32>
    %dot_general3A_22 = tpu.matmul %convert_element_type3A_15, %broadcast_in_dim3A_20, %dot_general3A_21 {dimension_numbers = #tpu.dot_dimension_numbers<[0], [0], [1], [1], [0, 1, 1, 1], [], []>, transpose_lhs_hint = false} : vector<10000x128xf32>, vector<10000x1xf32>, vector<128x1xf32> -> vector<128x1xf32>
    %swap3A_23 = arith.constant 0 : index
    %swap3A_24 = arith.constant 0 : index
    %swap3A_25 = vector.load %arg4[%swap3A_23, %swap3A_24] : memref<128x1xf32, #tpu.memory_space<vmem>>, vector<128x1xf32>
    tpu.vector_store %arg4[%swap3A_23, %swap3A_24], %dot_general3A_22 {strides = array<i32>} : memref<128x1xf32, #tpu.memory_space<vmem>>, vector<128x1xf32>,
    return
  }
}

module attributes {stable_mosaic.version = 14 : i64} {
  func.func @_tc_c1(%arg0: memref<10240x64xf32, #tpu.memory_space<vmem>>, %arg1: memref<10000x1xf32, #tpu.memory_space<vmem>>, %arg2: memref<1x64xf32, #tpu.memory_space<vmem>>, %arg3: memref<10000x64xf32, #tpu.memory_space<vmem>>, %arg4: memref<128x1xf32, #tpu.memory_space<vmem>>, %arg5: memref<10000x1xi32, #tpu.memory_space<vmem>>, %arg6: memref<128x128xf32, #tpu.memory_space<vmem>>) attributes {dimension_semantics = [], scalar_prefetch = 0 : i64, scratch_operands = 0 : i64, tpu.core_type = #tpu.core_type<tc>} {
    %get3A = arith.constant 0 : index
    %get3A_0 = arith.constant 0 : index
    %get3A_1 = vector.load %arg1[%get3A, %get3A_0] : memref<10000x1xf32, #tpu.memory_space<vmem>>, vector<10000x1xf32>
    %get3A_2 = arith.constant 0 : index
    %get3A_3 = arith.constant 0 : index
    %get3A_4 = vector.load %arg0[%get3A_2, %get3A_3] : memref<10240x64xf32, #tpu.memory_space<vmem>>, vector<10000x64xf32>
    %mul3A = vector.broadcast %get3A_1 : vector<10000x1xf32> to vector<10000x64xf32>
    %mul3A_5 = arith.mulf %mul3A, %get3A_4 : vector<10000x64xf32>
    %get3A_6 = arith.constant 0 : index
    %get3A_7 = arith.constant 0 : index
    %get3A_8 = vector.load %arg2[%get3A_6, %get3A_7] : memref<1x64xf32, #tpu.memory_space<vmem>>, vector<1x64xf32>
    %add3A = vector.broadcast %get3A_8 : vector<1x64xf32> to vector<10000x64xf32>
    %add3A_9 = arith.addf %mul3A_5, %add3A : vector<10000x64xf32>
    %max3A = arith.constant 0.000000e+00 : f32
    %max3A_10 = vector.broadcast %max3A : f32 to vector<10000x64xf32>
    %max3A_11 = arith.maximumf %add3A_9, %max3A_10 : vector<10000x64xf32>
    %get3A_12 = arith.constant 0 : index
    %get3A_13 = arith.constant 0 : index
    %get3A_14 = vector.load %arg3[%get3A_12, %get3A_13] : memref<10000x64xf32, #tpu.memory_space<vmem>>, vector<10000x64xf32>
    %concatenate3A = tpu.concatenate %max3A_11, %get3A_14 in 1 : vector<10000x64xf32>, vector<10000x64xf32> -> vector<10000x128xf32>
    %get3A_15 = arith.constant 0 : index
    %get3A_16 = arith.constant 0 : index
    %get3A_17 = vector.load %arg5[%get3A_15, %get3A_16] : memref<10000x1xi32, #tpu.memory_space<vmem>>, vector<10000x1xi32>
    %iota3A = tpu.iota {dimensions = array<i32: 1>} : vector<10000x128xi32>
    %eq3A = vector.broadcast %get3A_17 : vector<10000x1xi32> to vector<10000x128xi32>
    %eq3A_18 = arith.cmpi eq, %eq3A, %iota3A : vector<10000x128xi32>
    %convert_element_type3A = arith.extui %eq3A_18 : vector<10000x128xi1> to vector<10000x128xi32>
    %convert_element_type3A_19 = arith.sitofp %convert_element_type3A : vector<10000x128xi32> to vector<10000x128xf32>
    %dot_general3A = arith.constant dense<0.000000e+00> : vector<128x128xf32>
    %dot_general3A_20 = tpu.matmul %convert_element_type3A_19, %concatenate3A, %dot_general3A {dimension_numbers = #tpu.dot_dimension_numbers<[0], [0], [1], [1], [0, 1, 1, 1], [], []>, transpose_lhs_hint = false} : vector<10000x128xf32>, vector<10000x128xf32>, vector<128x128xf32> -> vector<128x128xf32>
    %get3A_21 = arith.constant 0 : index
    %get3A_22 = arith.constant 0 : index
    %get3A_23 = vector.load %arg4[%get3A_21, %get3A_22] : memref<128x1xf32, #tpu.memory_space<vmem>>, vector<128x1xf32>
    %max3A_24 = arith.constant 1.000000e+00 : f32
    %max3A_25 = vector.broadcast %max3A_24 : f32 to vector<128x1xf32>
    %max3A_26 = arith.maximumf %get3A_23, %max3A_25 : vector<128x1xf32>
    %div3A = vector.broadcast %max3A_26 : vector<128x1xf32> to vector<128x128xf32>
    %div3A_27 = arith.divf %dot_general3A_20, %div3A : vector<128x128xf32>
    %swap3A = arith.constant 0 : index
    %swap3A_28 = arith.constant 0 : index
    %swap3A_29 = vector.load %arg6[%swap3A, %swap3A_28] : memref<128x128xf32, #tpu.memory_space<vmem>>, vector<128x128xf32>
    tpu.vector_store %arg6[%swap3A, %swap3A_28], %div3A_27 {strides = array<i32>} : memref<128x128xf32, #tpu.memory_space<vmem>>, vector<128x128xf32>,
    return
  }
}

</mosaic_0001>

<sc_bundles>
// kernel: kernel.11.cloned.1.call-start
scs
__scs_entry_jumppad:
0x0: {  	(pc) =	sbr.rel $0x88, $3  }
0x1: {  	(tag) =	ssettag $0x0;
	lr =	simm.s32 $0x1  }
0x2: {  	[smem:$0x3F98] =	sst lr;
	_ =	strace $0xD0000000  }
0x3: {  	_ = 	snop  }
0x4: {  	_ = 	snop  }
0x5: {  	_ = 	snop  }
0x6: {  	_ = 	snop  }
0x7: {  	_ = 	snop  }
__scs_overlays_trampoline_lowered:
0x8: {  	[smem:$0x3FA7] =	sst s0  }
0x9: {  	[smem:$0x3FA8] =	sst s1  }
0xa: {  	[smem:$0x3FA9] =	sst s2  }
0xb: {  	[smem:$0x3FAA] =	sst s3  }
0xc: {  	[smem:$0x3FAB] =	sst s4  }
0xd: {  	[smem:$0x3FAC] =	sst s5  }
0xe: {  	[smem:$0x3FAD] =	sst s6  }
0xf: {  	[smem:$0x3FAE] =	sst s7  }
0x10: {  	[smem:$0x3FAF] =	sst s8  }
0x11: {  	[smem:$0x3FB0] =	sst s9;
	s0 =	simm.s32 @!p0 $0x0  }
0x12: {  	s1 =	sld [smem:$0x3F96];
	s0 =	simm.s32 @p0 $0x1  }
0x13: {  	[smem:$0x3FB1] =	sst s0;
	s0 =	simm.s32 @!p1 $0x0  }
0x14: {  	s2 =	sld [smem:$0x3F95];
	s0 =	simm.s32 @p1 $0x1  }
0x15: {  	[smem:$0x3FB2] =	sst s0;
	s0 =	simm.s32 @!p2 $0x0  }
0x16: {  	s3 =	sld [smem:$0x3FDB];
	s0 =	simm.s32 @p2 $0x1  }
0x17: {  	s4 =	simm.s32 $0x1BF5;
	[smem:$0x3FB4] =	sst s0  }
0x18: {  	s0 =	sld [smem:$0x3F97];
	_ =	swait.ge [sflag:s4], $0x0  }
0x19: {  	s7 =	sld [smem:$0x3F98]  }
0x1a: {  	s8 =	sadd.s32 $0xFFFFE003, lr  }
0x1b: {  	s9 =	sadd.s32 $0xFFFFFEF7, lr;
	s5 =	simm.s32 $0xFFFFFFFF;
	p2 =	slt.u32 s8, $0xFFFFF086  }
0x1c: {  	p1 =	slt.u32 s9, $0xF7A;
	s5 =	simm.s32 @!p2 $0x0  }
0x1d: {  	s5 =	simm.s32 @p1 $0x1;
	p0 =	seq.s32 s7, s2  }
0x1e: {  	s7 =	smul.u32 @!p0 $0xF7A, s2;
	p2 =	seq.s32 @!p0 s5, $0x0  }
0x1f: {  	s9 =	smul.u32 $0xF7A, s1;
	s8 =	simm.s32 @!p0 $0x1BF5;
	p2 =	por !p2, p0  }
0x20: {  	[sflag:s8] =	ssyncset.s32 @!p0 $0xFFFFF086;
	s6 =	sadd.s32 @!p0 s3, s7;
	s7 =	simm.s32 @!p0 $0x108  }
0x21: {  	s3 =	sadd.s32 s3, s9;
	s6 =	sadd.s32 @!p0 $0x88, s6;
	s7 =	simm.s32 @p2 $0x1082  }
0x22: {  	[simem:s7], [sflag:s8] =	dma.local @!p0 [hbm:s6], $0xF7A  }
0x23: {  	s9 =	sor.u32 $0xD0000000, s2;
	s6 =	simm.s32 $0x108;
	_ =	swait.ge @!p0 [sflag:s8], $0x0  }
0x24: {  	s3 =	sadd.s32 $0x88, s3;
	s6 =	simm.s32 @!p1 $0x1082;
	[sflag:s4] =	ssyncset.s32 $0xFFFFF086  }
0x25: {  	[simem:s6], [sflag:s4] =	dma.local [hbm:s3], $0xF7A  }
0x26: {  	[smem:$0x3F98] =	sst s1;
	(tag) =	ssettag s2;
	_ =	strace s9  }
0x27: {  	s1 =	sld [smem:$0x3FA8]  }
0x28: {  	s2 =	sld [smem:$0x3FA9]  }
0x29: {  	s4 =	sld [smem:$0x3FAB]  }
0x2a: {  	p0 =	seq.s32 s5, $0x0;
	s5 =	sld [smem:$0x3FAC]  }
0x2b: {  	s6 =	sld [smem:$0x3FAD]  }
0x2c: {  	s7 =	sld [smem:$0x3FAE]  }
0x2d: {  	s3 =	simm.s32 $0x108;
	s8 =	sld [smem:$0x3FAF]  }
0x2e: {  	s3 =	simm.s32 @!p0 $0x1082;
	s9 =	sld [smem:$0x3FB0]  }
0x2f: {  	lr =	sadd.s32 s0, s3;
	s0 =	sld [smem:$0x3FA7]  }
0x30: {  	s3 =	sld [smem:$0x3FAA]  }
0x31: {  	[smem:$0x3FB3] =	sst s10  }
0x32: {  	s10 =	sld [smem:$0x3FB1];
	_ =	sdelay $0x3  }
0x33: {  	p0 =	seq.s32 s10, $0x1;
	s10 =	sld [smem:$0x3FB3];
	_ =	sdelay $0x3  }
0x34: {  	[smem:$0x3FB3] =	sst s10  }
0x35: {  	s10 =	sld [smem:$0x3FB2];
	_ =	sdelay $0x3  }
0x36: {  	p1 =	seq.s32 s10, $0x1;
	s10 =	sld [smem:$0x3FB3];
	_ =	sdelay $0x3  }
0x37: {  	[smem:$0x3FB3] =	sst s10  }
0x38: {  	s10 =	sld [smem:$0x3FB4]  }
0x39: {  	_ = 	snop;
	(pc) =	sbr.ind lr, $3  }
0x3a: {  	_ = 	snop  }
0x3b: {  	_ = 	snop  }
0x3c: {  	p2 =	seq.s32 s10, $0x1;
	s10 =	sld [smem:$0x3FB3]  }
0x3d: {  	_ =	shalt  }
0x3e: {  	_ =	shalt  }
0x3f: {  	_ =	shalt  }
0x40: {  	_ =	shalt  }
0x41: {  	_ =	shalt  }
0x42: {  	_ =	shalt  }
0x43: {  	_ =	shalt  }
0x44: {  	_ =	shalt  }
0x45: {  	_ =	shalt  }
0x46: {  	_ =	shalt  }
0x47: {  	_ =	shalt  }
0x48: {  	_ =	shalt  }
0x49: {  	_ =	shalt  }
0x4a: {  	_ =	shalt  }
0x4b: {  	_ =	shalt  }
0x4c: {  	_ =	shalt  }
0x4d: {  	_ =	shalt  }
0x4e: {  	_ =	shalt  }
0x4f: {  	_ =	shalt  }
0x50: {  	_ =	shalt  }
0x51: {  	_ =	shalt  }
0x52: {  	_ =	shalt  }
0x53: {  	_ =	shalt  }
0x54: {  	_ =	shalt  }
0x55: {  	_ =	shalt  }
0x56: {  	_ =	shalt  }
0x57: {  	_ =	shalt  }
0x58: {  	_ =	shalt  }
0x59: {  	_ =	shalt  }
0x5a: {  	_ =	shalt  }
0x5b: {  	_ =	shalt  }
0x5c: {  	_ =	shalt  }
0x5d: {  	_ =	shalt  }
0x5e: {  	_ =	shalt  }
0x5f: {  	_ =	shalt  }
0x60: {  	_ =	shalt  }
0x61: {  	_ =	shalt  }
0x62: {  	_ =	shalt  }
0x63: {  	_ =	shalt  }
0x64: {  	_ =	shalt  }
0x65: {  	_ =	shalt  }
0x66: {  	_ =	shalt  }
0x67: {  	_ =	shalt  }
0x68: {  	_ =	shalt  }
0x69: {  	_ =	shalt  }
0x6a: {  	_ =	shalt  }
0x6b: {  	_ =	shalt  }
0x6c: {  	_ =	shalt  }
0x6d: {  	_ =	shalt  }
0x6e: {  	_ =	shalt  }
0x6f: {  	_ =	shalt  }
0x70: {  	_ =	shalt  }
0x71: {  	_ =	shalt  }
0x72: {  	_ =	shalt  }
0x73: {  	_ =	shalt  }
0x74: {  	_ =	shalt  }
0x75: {  	_ =	shalt  }
0x76: {  	_ =	shalt  }
0x77: {  	_ =	shalt  }
0x78: {  	_ =	shalt  }
0x79: {  	_ =	shalt  }
0x7a: {  	_ =	shalt  }
0x7b: {  	_ =	shalt  }
0x7c: {  	_ =	shalt  }
0x7d: {  	_ =	shalt  }
0x7e: {  	_ =	shalt  }
0x7f: {  	_ =	shalt  }
0x80: {  	_ =	shalt  }
0x81: {  	_ =	shalt  }
0x82: {  	_ =	shalt  }
0x83: {  	_ =	shalt  }
0x84: {  	_ =	shalt  }
0x85: {  	_ =	shalt  }
0x86: {  	_ =	shalt  }
0x87: {  	_ =	shalt  }
.Lfunc_end0:
.L_simem_size_0:
called_computation_lowered:
.L_overlay_start_0:
0x88: {  	s2 =	sld [smem:$0x3FD9]  }
0x89: {  	s3 =	sld [smem:$0x3FFE];
	_ =	sdelay $0x1  }
0x8a: {  	s1 =	srdreg.scid  }
0x8b: {  	s0 =	sand.u32 $0x1, s1  }
0x8c: {  	s16 =	sshll.u32 s0, $0xA;
	s2 =	sadd.s32 s3, s2  }
0x8d: {  	s2 =	sadd.s32 s2, s16  }
0x8e: {  	[smem:$0x3FBF] =	sst s2  }
0x8f: {  	_ = 	snop  }
0x90: {  	(tm) =	ssettm $0x1  }
0x91: {  	s17 =	sld [smem:$0x3FFB];
	_ =	sdelay $0x3  }
0x92: {  	_ =	strace s17  }
0x93: {  	s2 =	sld [smem:$0x3FFC];
	_ =	sdelay $0x3  }
0x94: {  	_ =	strace s2  }
0x95: {  	s2 =	sld [smem:$0x3FFD];
	_ =	sdelay $0x3  }
0x96: {  	_ =	strace s2  }
0x97: {  	_ =	strace $0x8FFFFFFF  }
0x98: {  	s18 =	sld [smem:$0x3FDB];
	_ =	sdelay $0x1  }
0x99: {  	s19 =	simm.s32 $_scs_section_size  }
0x9a: {  	s4 =	simm.s32 $_size__tile_overlayer_lowered;
	s5 =	simm.s32 $_tile_overlayer_lowered  }
0x9b: {  	s22 =	simm.s32 $0x1BFF;
	s21 =	sshll.u32 s5, $0x1;
	s2 =	sadd.s32 s19, s18  }
0x9c: {  	s6 =	simm.s32 $0x0;
	s20 =	sshll.u32 s4, $0x1;
	s4 =	sadd.s32 s21, s2  }
0x9d: {  	[timem:s6], [sflag:s22] =	dma.local [hbm:s4], s20  }
0x9e: {  	_ =	swait.ge [sflag:s22], s20  }
0x9f: {  	s3 =	ssub.s32 $0x0, s20;
	[sflag:s22] =	ssyncset.done $0x0  }
0xa0: {  	[sflag:s22] =	ssyncadd.s32 s3;
	_ =	sdelay $0x1  }
0xa1: {  	s23 =	simm.s32 $0x1B8B  }
0xa2: {  	_ =	swait.ge [sflag:s23], $0x1  }
0xa3: {  	[sflag:s23] =	ssyncset.done $0x0  }
0xa4: {  	s25 =	simm.s32 $0x1B8E;
	s24 =	sld [smem:$0x3FFE];
	[sflag:s23] =	ssyncadd.s32 $0xFFFFFFFF  }
0xa5: {  	s26 =	simm.s32 $execute0_lowered;
	[smem:$0x3FD2] =	sst s25  }
0xa6: {  	s4 =	sshll.u32 s26, $0x1;
	_ =	strace $0x80000046;
	[dreg:$0x1] =	wrdreg $0xFFFFFFFF  }
0xa7: {  	s28 =	simm.s32 $_size_execute0_lowered;
	s2 =	sadd.s32 s2, s4;
	[dreg:$0x0] =	wrdreg $0x0  }
0xa8: {  	s4 =	sshll.u32 s28, $0x1;
	[dreg:$0x2] =	wrdreg s2  }
0xa9: {  	[dreg:$0x3] =	wrdreg s4  }
0xaa: {  	[dreg:$0x4] =	wrdreg $0xC0  }
0xab: {  	_ =	task [dreg:s6], $0x5FFFF  }
0xac: {  	[dreg:$0x1] =	wrdreg $0xFFFFFFFF  }
0xad: {  	[dreg:$0x0] =	wrdreg $0x60  }
0xae: {  	[dreg:$0x2] =	wrdreg s24  }
0xaf: {  	[dreg:$0x3] =	wrdreg $0x48000  }
0xb0: {  	[dreg:$0x4] =	wrdreg $0x9  }
0xb1: {  	_ =	task.clear_ibuf [dreg:s6], $0x5FFFF;
	_ =	strace $0x90000046  }
0xb2: {  	s29 =	simm.s32 $0x9;
	_ =	strace $0x80000048  }
0xb3: {  	_ =	swait.ge [sflag:s29], $0x1  }
0xb4: {  	[sflag:s29] =	ssyncadd.s32 $0xFFFFFFFF  }
0xb5: {  	_ =	strace $0x90000048  }
0xb6: {  	_ =	sfence  }
0xb7: {  	s30 =	sld [smem:$0x0];
	_ =	sdelay $0x2  }
0xb8: {  	s31 =	sshll.u32 s1, $0xD;
	s1 =	sshrl.u32 s1, $0x2  }
0xb9: {  	s3 =	sand.u32 $0x4000, s31;
	s1 =	sadd.s32 s1, s30  }
0xba: {  	s0 =	sor.u32 s3, s0;
	s1 =	sshll.u32 s1, $0x11  }
0xbb: {  	s0 =	sor.u32 s1, s0  }
0xbc: {  	s0 =	sadd.s32 $0x8F2B, s0  }
0xbd: {  	[sflag:s0] =	ssyncadd.remote.s32 $0x1  }
0xbe: {  	_ =	sfence.sel $0xFFFF  }
0xbf: {  	[dreg:$0x0] =	wrdreg $0xFFFFFFFF;
	(pc) =	sbr.abs _section_cstart, $3  }
0xc0: {  	[dreg:$0x1] =	wrdreg $0xFFFFFFFF  }
0xc1: {  	_ =	task.clear_ibuf [dreg:s6], $0x2FFFF;
	_ =	strace $0x9FFFFFFF  }
0xc2: {  	(tm) =	ssettm $0x7FFFFFFF  }
0xc3: {  	_ =	shalt  }
tec
execute0_lowered:
.L_overlay_start_1:
0x0: {  	(tag) =	ssettag $0x1  }
0x1: {  	s0 =	srdreg.scid;
	s4 =	rddreg [dreg:$0x0]  }
0x2: {  	s10 =	stileid.u32;
	s2 =	rddreg [dreg:$0x1];
	s11 =	simm.s32 $0x200  }
0x3: {  	s12 =	simm.s32 $0x2800;
	s15 =	simm.s32 $0x800;
	s16 =	simm.s32 $0xA00  }
0x4: {  	s17 =	simm.s32 $0xC00;
	s18 =	simm.s32 $0xE00;
	s19 =	simm.s32 $0x1000  }
0x5: {  	s20 =	simm.s32 $0x1200;
	s21 =	simm.s32 $0x1400;
	s22 =	simm.s32 $0x1600  }
0x6: {  	s23 =	simm.s32 $0x1800;
	s24 =	simm.s32 $0x1A00;
	s28 =	simm.s32 $0x2000  }
0x7: {  	s29 =	simm.s32 $0x2200;
	s30 =	simm.s32 $0x2400;
	s1 =	smul.u32 $0x5000, s10  }
0x8: {  	s31 =	simm.s32 $0x2600;
	s0 =	sand.u32 $0x1, s0;
	s5 =	smul.u32 $0x2800, s10  }
0x9: {  	s25 =	sshll.u32 s10, $0x6;
	s10 =	simm.s32 $0x2;
	s3 =	smul.u32 $0x2800, s0  }
0xa: {  	s6 =	smul.u32 $0x28000, s0;
	s0 =	ssub.s32 $0x2, s0;
	s7 =	sshrl.u32 s5, $0x3  }
0xb: {  	s8 =	sshrl.u32 s0, $0x1;
	s26 =	sadd.s32 s5, s2;
	s1 =	sadd.s32 s3, s1  }
0xc: {  	s3 =	simm.s32 $0x0;
	s6 =	sadd.s32 s5, s6;
	s7 =	sadd.s32 s7, s4  }
0xd: {  	s0 =	ssub.s32 s0, s8;
	s5 =	sor.u32 $0x1C02, s25;
	s25 =	simm.s32 $0x1C00  }
0xe: {  	s1 =	sadd.s32 $0x50000, s1;
	[smem:$0x7FF] =	sst s3;
	s6 =	sshrl.u32 s6, $0x3  }
0xf: {  	s8 =	smax.u32 s0, $0x1;
	s0 =	simm.s32 $0x0;
	s1 =	sshrl.u32 s1, $0x3  }
0x10: {  	_ =	strace $0x80000047;
	s9 =	sadd.s32 s6, s4;
	s1 =	sadd.s32 s1, s4  }
0x11: {  	s4 =	sadd.s32 $0x16800, s7;
	s7 =	sadd.s32 $0x1B800, s9;
	s9 =	sshrl.u32 s26, $0x3  }
0x12: {  	v0 =	vimm.f32 $1.000000000e+00;
	s26 =	simm.s32 $0x1E00;
	s6 =	sadd.s32 $0x2800, s1;
	s1 =	simm.s32 $0x1  }
.LBB2_1:
0x13: {  	[spmem:s9], [sflag:s5] =	dma.local [hbm:s4], $0x500  }
0x14: {  	_ =	swait.ge [sflag:s10], $0x500  }
0x15: {  	[sflag:s10] =	ssyncset.done $0x0  }
0x16: {  	[sflag:s10] =	ssyncadd.s32 $0xFFFFFB00  }
0x17: {  	[tilespmem:s3], [sflag:$0x2] =	stream.linear.gather [hbm4b:s6+s3], $0x2800, $0x38;
	[tilespmem:$0x7000] =	vst v63  }
0x18: {  	_ =	swait.ge [sflag:s10], $0x2800  }
0x19: {  	[sflag:s10] =	ssyncset.done $0x0  }
0x1a: {  	s13 =	simm.s32 $0x40;
	s14 =	simm.s32 $0x0;
	[sflag:s10] =	ssyncadd.s32 $0xFFFFD800  }
.LBB2_2:
0x1b: {  	p0 =	sne.s32 s13, $0x7FC0;
	[tilespmem:s14+$0x2800] =	vst v0;
	s14 =	smov.u32 s13;
	s13 =	sadd.s32 $0x40, s13  }
.Ltmp0:
0x1c: {  	(pc) =	sbr.rel @p0 .LBB2_2-.Ltmp0, $2  }
0x1d: {  	_ =	sdelay $0x2  }
0x1e: {  	s14 =	sshra.s32 s14, $0x2  }
0x1f: {  	[tilespmem:s14+$0x2800] =	vst v0  }
0x20: {  	[bflag:$0x0] =	sbarrier.arrive $0xFFFF  }
0x21: {  	[spmem:s2] =	stream.indirect.scatter.add.f32 [tilespmem:s12], [sflag:$0x1], $0x10, s3, s11, $0xb8;
	[tilespmem:$0x7000] =	vst v63  }
0x22: {  	_ = 	snop  }
0x23: {  	[spmem:s2] =	stream.indirect.scatter.add.f32 [tilespmem:s12], [sflag:$0x1], $0x10, s11, s11, $0xb8;
	[tilespmem:$0x7000] =	vst v63  }
0x24: {  	s13 =	simm.s32 $0x400  }
0x25: {  	[spmem:s2] =	stream.indirect.scatter.add.f32 [tilespmem:s12], [sflag:$0x1], $0x10, s13, s11, $0xb8;
	[tilespmem:$0x7000] =	vst v63  }
0x26: {  	s14 =	simm.s32 $0x600  }
0x27: {  	[spmem:s2] =	stream.indirect.scatter.add.f32 [tilespmem:s12], [sflag:$0x1], $0x10, s14, s11, $0xb8;
	[tilespmem:$0x7000] =	vst v63  }
0x28: {  	_ = 	snop  }
0x29: {  	[spmem:s2] =	stream.indirect.scatter.add.f32 [tilespmem:s12], [sflag:$0x1], $0x10, s15, s11, $0xb8;
	[tilespmem:$0x7000] =	vst v63  }
0x2a: {  	_ = 	snop  }
0x2b: {  	[spmem:s2] =	stream.indirect.scatter.add.f32 [tilespmem:s12], [sflag:$0x1], $0x10, s16, s11, $0xb8;
	[tilespmem:$0x7000] =	vst v63  }
0x2c: {  	_ = 	snop  }
0x2d: {  	[spmem:s2] =	stream.indirect.scatter.add.f32 [tilespmem:s12], [sflag:$0x1], $0x10, s17, s11, $0xb8;
	[tilespmem:$0x7000] =	vst v63  }
0x2e: {  	_ = 	snop  }
0x2f: {  	[spmem:s2] =	stream.indirect.scatter.add.f32 [tilespmem:s12], [sflag:$0x1], $0x10, s18, s11, $0xb8;
	[tilespmem:$0x7000] =	vst v63  }
0x30: {  	_ = 	snop  }
0x31: {  	[spmem:s2] =	stream.indirect.scatter.add.f32 [tilespmem:s12], [sflag:$0x1], $0x10, s19, s11, $0xb8;
	[tilespmem:$0x7000] =	vst v63  }
0x32: {  	_ = 	snop  }
0x33: {  	[spmem:s2] =	stream.indirect.scatter.add.f32 [tilespmem:s12], [sflag:$0x1], $0x10, s20, s11, $0xb8;
	[tilespmem:$0x7000] =	vst v63  }
0x34: {  	_ = 	snop  }
0x35: {  	[spmem:s2] =	stream.indirect.scatter.add.f32 [tilespmem:s12], [sflag:$0x1], $0x10, s21, s11, $0xb8;
	[tilespmem:$0x7000] =	vst v63  }
0x36: {  	_ = 	snop  }
0x37: {  	[spmem:s2] =	stream.indirect.scatter.add.f32 [tilespmem:s12], [sflag:$0x1], $0x10, s22, s11, $0xb8;
	[tilespmem:$0x7000] =	vst v63  }
0x38: {  	_ = 	snop  }
0x39: {  	[spmem:s2] =	stream.indirect.scatter.add.f32 [tilespmem:s12], [sflag:$0x1], $0x10, s23, s11, $0xb8;
	[tilespmem:$0x7000] =	vst v63  }
0x3a: {  	_ = 	snop  }
0x3b: {  	[spmem:s2] =	stream.indirect.scatter.add.f32 [tilespmem:s12], [sflag:$0x1], $0x10, s24, s11, $0xb8;
	[tilespmem:$0x7000] =	vst v63  }
0x3c: {  	_ = 	snop  }
0x3d: {  	[spmem:s2] =	stream.indirect.scatter.add.f32 [tilespmem:s12], [sflag:$0x1], $0x10, s25, s11, $0xb8;
	[tilespmem:$0x7000] =	vst v63  }
0x3e: {  	_ = 	snop  }
0x3f: {  	[spmem:s2] =	stream.indirect.scatter.add.f32 [tilespmem:s12], [sflag:$0x1], $0x10, s26, s11, $0xb8;
	[tilespmem:$0x7000] =	vst v63  }
0x40: {  	_ = 	snop  }
0x41: {  	[spmem:s2] =	stream.indirect.scatter.add.f32 [tilespmem:s12], [sflag:$0x1], $0x10, s28, s11, $0xb8;
	[tilespmem:$0x7000] =	vst v63  }
0x42: {  	_ = 	snop  }
0x43: {  	[spmem:s2] =	stream.indirect.scatter.add.f32 [tilespmem:s12], [sflag:$0x1], $0x10, s29, s11, $0xb8;
	[tilespmem:$0x7000] =	vst v63  }
0x44: {  	_ = 	snop  }
0x45: {  	[spmem:s2] =	stream.indirect.scatter.add.f32 [tilespmem:s12], [sflag:$0x1], $0x10, s30, s11, $0xb8;
	[tilespmem:$0x7000] =	vst v63  }
0x46: {  	_ = 	snop  }
0x47: {  	[spmem:s2] =	stream.indirect.scatter.add.f32 [tilespmem:s12], [sflag:$0x1], $0x10, s31, s11, $0xb8;
	[tilespmem:$0x7000] =	vst v63  }
0x48: {  	_ =	swait.ge [sflag:s1], $0x2000  }
0x49: {  	[sflag:s1] =	ssyncset.done $0x0  }
0x4a: {  	[sflag:s1] =	ssyncadd.s32 $0xFFFFE000  }
0x4b: {  	_ =	swait.ge [sflag:s1], $0x2000  }
0x4c: {  	[sflag:s1] =	ssyncset.done $0x0  }
0x4d: {  	[sflag:s1] =	ssyncadd.s32 $0xFFFFE000  }
0x4e: {  	_ =	swait.ge [sflag:s1], $0x2000  }
0x4f: {  	[sflag:s1] =	ssyncset.done $0x0  }
0x50: {  	[sflag:s1] =	ssyncadd.s32 $0xFFFFE000  }
0x51: {  	_ =	swait.ge [sflag:s1], $0x2000  }
0x52: {  	[sflag:s1] =	ssyncset.done $0x0  }
0x53: {  	[sflag:s1] =	ssyncadd.s32 $0xFFFFE000  }
0x54: {  	_ =	swait.ge [sflag:s1], $0x2000  }
0x55: {  	[sflag:s1] =	ssyncset.done $0x0  }
0x56: {  	[sflag:s1] =	ssyncadd.s32 $0xFFFFE000  }
0x57: {  	_ =	swait.ge [sflag:s1], $0x2000  }
0x58: {  	[sflag:s1] =	ssyncset.done $0x0  }
0x59: {  	[sflag:s1] =	ssyncadd.s32 $0xFFFFE000  }
0x5a: {  	_ =	swait.ge [sflag:s1], $0x2000  }
0x5b: {  	[sflag:s1] =	ssyncset.done $0x0  }
0x5c: {  	[sflag:s1] =	ssyncadd.s32 $0xFFFFE000  }
0x5d: {  	_ =	swait.ge [sflag:s1], $0x2000  }
0x5e: {  	[sflag:s1] =	ssyncset.done $0x0  }
0x5f: {  	[sflag:s1] =	ssyncadd.s32 $0xFFFFE000  }
0x60: {  	_ =	swait.ge [sflag:s1], $0x2000  }
0x61: {  	[sflag:s1] =	ssyncset.done $0x0  }
0x62: {  	[sflag:s1] =	ssyncadd.s32 $0xFFFFE000  }
0x63: {  	_ =	swait.ge [sflag:s1], $0x2000  }
0x64: {  	[sflag:s1] =	ssyncset.done $0x0  }
0x65: {  	[sflag:s1] =	ssyncadd.s32 $0xFFFFE000  }
0x66: {  	_ =	swait.ge [sflag:s1], $0x2000  }
0x67: {  	[sflag:s1] =	ssyncset.done $0x0  }
0x68: {  	[sflag:s1] =	ssyncadd.s32 $0xFFFFE000  }
0x69: {  	_ =	swait.ge [sflag:s1], $0x2000  }
0x6a: {  	[sflag:s1] =	ssyncset.done $0x0  }
0x6b: {  	[sflag:s1] =	ssyncadd.s32 $0xFFFFE000  }
0x6c: {  	_ =	swait.ge [sflag:s1], $0x2000  }
0x6d: {  	[sflag:s1] =	ssyncset.done $0x0  }
0x6e: {  	[sflag:s1] =	ssyncadd.s32 $0xFFFFE000  }
0x6f: {  	_ =	swait.ge [sflag:s1], $0x2000  }
0x70: {  	[sflag:s1] =	ssyncset.done $0x0  }
0x71: {  	[sflag:s1] =	ssyncadd.s32 $0xFFFFE000  }
0x72: {  	_ =	swait.ge [sflag:s1], $0x2000  }
0x73: {  	[sflag:s1] =	ssyncset.done $0x0  }
0x74: {  	[sflag:s1] =	ssyncadd.s32 $0xFFFFE000  }
0x75: {  	_ =	swait.ge [sflag:s1], $0x2000  }
0x76: {  	[sflag:s1] =	ssyncset.done $0x0  }
0x77: {  	[sflag:s1] =	ssyncadd.s32 $0xFFFFE000  }
0x78: {  	_ =	swait.ge [sflag:s1], $0x2000  }
0x79: {  	[sflag:s1] =	ssyncset.done $0x0  }
0x7a: {  	[sflag:s1] =	ssyncadd.s32 $0xFFFFE000  }
0x7b: {  	_ =	swait.ge [sflag:s1], $0x2000  }
0x7c: {  	[sflag:s1] =	ssyncset.done $0x0  }
0x7d: {  	[sflag:s1] =	ssyncadd.s32 $0xFFFFE000  }
0x7e: {  	_ =	swait.ge [sflag:s1], $0x2000  }
0x7f: {  	[sflag:s1] =	ssyncset.done $0x0  }
0x80: {  	[sflag:s1] =	ssyncadd.s32 $0xFFFFE000  }
0x81: {  	_ =	swait.ge [sflag:s1], $0x2000  }
0x82: {  	s0 =	sadd.s32 $0x1, s0;
	[sflag:s1] =	ssyncset.done $0x0  }
0x83: {  	p0 =	sne.s32 s0, s8;
	[sflag:s1] =	ssyncadd.s32 $0xFFFFE000  }
.Ltmp1:
0x84: {  	[bflag:$0x0] =	sbarrier.arrive $0xFFFF;
	(pc) =	sbr.rel @p0 .LBB2_1-.Ltmp1, $4  }
0x85: {  	[hbm:s7], [sflag:s5] =	dma.local [spmem:s9], $0x500  }
0x86: {  	_ =	swait.ge [sflag:s10], $0x500  }
0x87: {  	[sflag:s10] =	ssyncset.done $0x0  }
0x88: {  	[sflag:s10] =	ssyncadd.s32 $0xFFFFFB00  }
0x89: {  	_ =	sfence.sel $0x180000  }
0x8a: {  	[bflag:$0x0] =	sbarrier.arrive $0xFFFF  }
0x8b: {  	_ =	strace $0x90000047  }
0x8c: {  	s0 =	stileid.u32;
	[bflag:$0x2] =	sbarrier.arrive $0xFFFF  }
0x8d: {  	p0 =	sne.s32 s0, $0x0;
	s0 =	rddreg [dreg:$0x2]  }
0x8e: {  	s0 =	sadd.s32 @!p0 $0x100000, s0  }
0x8f: {  	[sflag:s0] =	ssyncadd.tile.s32 @!p0 $0x1;
	_ =	shalt  }
.Lfunc_end2:
_tile_overlayer_lowered:
.L_overlay_start_2:
0x90: {  	(tag) =	ssettag $0x2  }
0x91: {  	s0 =	rddreg [dreg:$0x0];
	s2 =	stileid.u32  }
0x92: {  	s1 =	rddreg [dreg:$0x1];
	p0 =	sne.s32 s2, $0x0  }
0x93: {  	s3 =	rddreg [dreg:$0x2];
	[bflag:$0x3] =	sbarrier.arrive $0xFFFF;
	s2 =	simm.s32 @!p0 $0x1C02  }
0x94: {  	[timem:s3], [sflag:s2] =	dma.local @!p0 [hbm:s0], s1  }
0x95: {  	s0 =	simm.s32 @!p0 $0x2  }
0x96: {  	_ =	swait.ge @!p0 [sflag:s0], s1  }
0x97: {  	s1 =	ssub.s32 @!p0 $0x0, s1;
	[sflag:s0] =	ssyncset.done @!p0 $0x0  }
0x98: {  	[sflag:s0] =	ssyncadd.s32 @!p0 s1  }
0x99: {  	[bflag:$0x3] =	sbarrier.arrive $0xFFFF  }
0x9a: {  	_ =	shalt  }

// kernel: kernel.14.cloned.1.call-start
scs
__scs_entry_jumppad:
0x0: {  	(pc) =	sbr.rel $0x88, $3  }
0x1: {  	(tag) =	ssettag $0x0;
	lr =	simm.s32 $0x1  }
0x2: {  	[smem:$0x3F98] =	sst lr;
	_ =	strace $0xD0000000  }
0x3: {  	_ = 	snop  }
0x4: {  	_ = 	snop  }
0x5: {  	_ = 	snop  }
0x6: {  	_ = 	snop  }
0x7: {  	_ = 	snop  }
__scs_overlays_trampoline_lowered:
0x8: {  	[smem:$0x3FA7] =	sst s0  }
0x9: {  	[smem:$0x3FA8] =	sst s1  }
0xa: {  	[smem:$0x3FA9] =	sst s2  }
0xb: {  	[smem:$0x3FAA] =	sst s3  }
0xc: {  	[smem:$0x3FAB] =	sst s4  }
0xd: {  	[smem:$0x3FAC] =	sst s5  }
0xe: {  	[smem:$0x3FAD] =	sst s6  }
0xf: {  	[smem:$0x3FAE] =	sst s7  }
0x10: {  	[smem:$0x3FAF] =	sst s8  }
0x11: {  	[smem:$0x3FB0] =	sst s9;
	s0 =	simm.s32 @!p0 $0x0  }
0x12: {  	s1 =	sld [smem:$0x3F96];
	s0 =	simm.s32 @p0 $0x1  }
0x13: {  	[smem:$0x3FB1] =	sst s0;
	s0 =	simm.s32 @!p1 $0x0  }
0x14: {  	s2 =	sld [smem:$0x3F95];
	s0 =	simm.s32 @p1 $0x1  }
0x15: {  	[smem:$0x3FB2] =	sst s0;
	s0 =	simm.s32 @!p2 $0x0  }
0x16: {  	s3 =	sld [smem:$0x3FDB];
	s0 =	simm.s32 @p2 $0x1  }
0x17: {  	s4 =	simm.s32 $0x1BF5;
	[smem:$0x3FB4] =	sst s0  }
0x18: {  	s0 =	sld [smem:$0x3F97];
	_ =	swait.ge [sflag:s4], $0x0  }
0x19: {  	s7 =	sld [smem:$0x3F98]  }
0x1a: {  	s8 =	sadd.s32 $0xFFFFE003, lr  }
0x1b: {  	s9 =	sadd.s32 $0xFFFFFEF7, lr;
	s5 =	simm.s32 $0xFFFFFFFF;
	p2 =	slt.u32 s8, $0xFFFFF086  }
0x1c: {  	p1 =	slt.u32 s9, $0xF7A;
	s5 =	simm.s32 @!p2 $0x0  }
0x1d: {  	s5 =	simm.s32 @p1 $0x1;
	p0 =	seq.s32 s7, s2  }
0x1e: {  	s7 =	smul.u32 @!p0 $0xF7A, s2;
	p2 =	seq.s32 @!p0 s5, $0x0  }
0x1f: {  	s9 =	smul.u32 $0xF7A, s1;
	s8 =	simm.s32 @!p0 $0x1BF5;
	p2 =	por !p2, p0  }
0x20: {  	[sflag:s8] =	ssyncset.s32 @!p0 $0xFFFFF086;
	s6 =	sadd.s32 @!p0 s3, s7;
	s7 =	simm.s32 @!p0 $0x108  }
0x21: {  	s3 =	sadd.s32 s3, s9;
	s6 =	sadd.s32 @!p0 $0x88, s6;
	s7 =	simm.s32 @p2 $0x1082  }
0x22: {  	[simem:s7], [sflag:s8] =	dma.local @!p0 [hbm:s6], $0xF7A  }
0x23: {  	s9 =	sor.u32 $0xD0000000, s2;
	s6 =	simm.s32 $0x108;
	_ =	swait.ge @!p0 [sflag:s8], $0x0  }
0x24: {  	s3 =	sadd.s32 $0x88, s3;
	s6 =	simm.s32 @!p1 $0x1082;
	[sflag:s4] =	ssyncset.s32 $0xFFFFF086  }
0x25: {  	[simem:s6], [sflag:s4] =	dma.local [hbm:s3], $0xF7A  }
0x26: {  	[smem:$0x3F98] =	sst s1;
	(tag) =	ssettag s2;
	_ =	strace s9  }
0x27: {  	s1 =	sld [smem:$0x3FA8]  }
0x28: {  	s2 =	sld [smem:$0x3FA9]  }
0x29: {  	s4 =	sld [smem:$0x3FAB]  }
0x2a: {  	p0 =	seq.s32 s5, $0x0;
	s5 =	sld [smem:$0x3FAC]  }
0x2b: {  	s6 =	sld [smem:$0x3FAD]  }
0x2c: {  	s7 =	sld [smem:$0x3FAE]  }
0x2d: {  	s3 =	simm.s32 $0x108;
	s8 =	sld [smem:$0x3FAF]  }
0x2e: {  	s3 =	simm.s32 @!p0 $0x1082;
	s9 =	sld [smem:$0x3FB0]  }
0x2f: {  	lr =	sadd.s32 s0, s3;
	s0 =	sld [smem:$0x3FA7]  }
0x30: {  	s3 =	sld [smem:$0x3FAA]  }
0x31: {  	[smem:$0x3FB3] =	sst s10  }
0x32: {  	s10 =	sld [smem:$0x3FB1];
	_ =	sdelay $0x3  }
0x33: {  	p0 =	seq.s32 s10, $0x1;
	s10 =	sld [smem:$0x3FB3];
	_ =	sdelay $0x3  }
0x34: {  	[smem:$0x3FB3] =	sst s10  }
0x35: {  	s10 =	sld [smem:$0x3FB2];
	_ =	sdelay $0x3  }
0x36: {  	p1 =	seq.s32 s10, $0x1;
	s10 =	sld [smem:$0x3FB3];
	_ =	sdelay $0x3  }
0x37: {  	[smem:$0x3FB3] =	sst s10  }
0x38: {  	s10 =	sld [smem:$0x3FB4]  }
0x39: {  	_ = 	snop;
	(pc) =	sbr.ind lr, $3  }
0x3a: {  	_ = 	snop  }
0x3b: {  	_ = 	snop  }
0x3c: {  	p2 =	seq.s32 s10, $0x1;
	s10 =	sld [smem:$0x3FB3]  }
0x3d: {  	_ =	shalt  }
0x3e: {  	_ =	shalt  }
0x3f: {  	_ =	shalt  }
0x40: {  	_ =	shalt  }
0x41: {  	_ =	shalt  }
0x42: {  	_ =	shalt  }
0x43: {  	_ =	shalt  }
0x44: {  	_ =	shalt  }
0x45: {  	_ =	shalt  }
0x46: {  	_ =	shalt  }
0x47: {  	_ =	shalt  }
0x48: {  	_ =	shalt  }
0x49: {  	_ =	shalt  }
0x4a: {  	_ =	shalt  }
0x4b: {  	_ =	shalt  }
0x4c: {  	_ =	shalt  }
0x4d: {  	_ =	shalt  }
0x4e: {  	_ =	shalt  }
0x4f: {  	_ =	shalt  }
0x50: {  	_ =	shalt  }
0x51: {  	_ =	shalt  }
0x52: {  	_ =	shalt  }
0x53: {  	_ =	shalt  }
0x54: {  	_ =	shalt  }
0x55: {  	_ =	shalt  }
0x56: {  	_ =	shalt  }
0x57: {  	_ =	shalt  }
0x58: {  	_ =	shalt  }
0x59: {  	_ =	shalt  }
0x5a: {  	_ =	shalt  }
0x5b: {  	_ =	shalt  }
0x5c: {  	_ =	shalt  }
0x5d: {  	_ =	shalt  }
0x5e: {  	_ =	shalt  }
0x5f: {  	_ =	shalt  }
0x60: {  	_ =	shalt  }
0x61: {  	_ =	shalt  }
0x62: {  	_ =	shalt  }
0x63: {  	_ =	shalt  }
0x64: {  	_ =	shalt  }
0x65: {  	_ =	shalt  }
0x66: {  	_ =	shalt  }
0x67: {  	_ =	shalt  }
0x68: {  	_ =	shalt  }
0x69: {  	_ =	shalt  }
0x6a: {  	_ =	shalt  }
0x6b: {  	_ =	shalt  }
0x6c: {  	_ =	shalt  }
0x6d: {  	_ =	shalt  }
0x6e: {  	_ =	shalt  }
0x6f: {  	_ =	shalt  }
0x70: {  	_ =	shalt  }
0x71: {  	_ =	shalt  }
0x72: {  	_ =	shalt  }
0x73: {  	_ =	shalt  }
0x74: {  	_ =	shalt  }
0x75: {  	_ =	shalt  }
0x76: {  	_ =	shalt  }
0x77: {  	_ =	shalt  }
0x78: {  	_ =	shalt  }
0x79: {  	_ =	shalt  }
0x7a: {  	_ =	shalt  }
0x7b: {  	_ =	shalt  }
0x7c: {  	_ =	shalt  }
0x7d: {  	_ =	shalt  }
0x7e: {  	_ =	shalt  }
0x7f: {  	_ =	shalt  }
0x80: {  	_ =	shalt  }
0x81: {  	_ =	shalt  }
0x82: {  	_ =	shalt  }
0x83: {  	_ =	shalt  }
0x84: {  	_ =	shalt  }
0x85: {  	_ =	shalt  }
0x86: {  	_ =	shalt  }
0x87: {  	_ =	shalt  }
.Lfunc_end0:
.L_simem_size_0:
called_computation.1_lowered:
.L_overlay_start_0:
0x88: {  	s2 =	sld [smem:$0x3FD9]  }
0x89: {  	s3 =	sld [smem:$0x3FFE];
	_ =	sdelay $0x1  }
0x8a: {  	s1 =	srdreg.scid  }
0x8b: {  	s0 =	sand.u32 $0x1, s1  }
0x8c: {  	s16 =	sshll.u32 s0, $0xA;
	s2 =	sadd.s32 s3, s2  }
0x8d: {  	s2 =	sadd.s32 s2, s16  }
0x8e: {  	[smem:$0x3FBF] =	sst s2  }
0x8f: {  	_ = 	snop  }
0x90: {  	(tm) =	ssettm $0x1  }
0x91: {  	s17 =	sld [smem:$0x3FFB];
	_ =	sdelay $0x3  }
0x92: {  	_ =	strace s17  }
0x93: {  	s2 =	sld [smem:$0x3FFC];
	_ =	sdelay $0x3  }
0x94: {  	_ =	strace s2  }
0x95: {  	s2 =	sld [smem:$0x3FFD];
	_ =	sdelay $0x3  }
0x96: {  	_ =	strace s2  }
0x97: {  	_ =	strace $0x8FFFFFFF  }
0x98: {  	s18 =	sld [smem:$0x3FDB];
	_ =	sdelay $0x1  }
0x99: {  	s19 =	simm.s32 $_scs_section_size  }
0x9a: {  	s4 =	simm.s32 $_size__tile_overlayer_lowered;
	s5 =	simm.s32 $_tile_overlayer_lowered  }
0x9b: {  	s22 =	simm.s32 $0x1BFF;
	s21 =	sshll.u32 s5, $0x1;
	s2 =	sadd.s32 s19, s18  }
0x9c: {  	s6 =	simm.s32 $0x0;
	s20 =	sshll.u32 s4, $0x1;
	s4 =	sadd.s32 s21, s2  }
0x9d: {  	[timem:s6], [sflag:s22] =	dma.local [hbm:s4], s20  }
0x9e: {  	_ =	swait.ge [sflag:s22], s20  }
0x9f: {  	s3 =	ssub.s32 $0x0, s20;
	[sflag:s22] =	ssyncset.done $0x0  }
0xa0: {  	[sflag:s22] =	ssyncadd.s32 s3;
	_ =	sdelay $0x1  }
0xa1: {  	s23 =	simm.s32 $0x1B8B  }
0xa2: {  	_ =	swait.ge [sflag:s23], $0x1  }
0xa3: {  	[sflag:s23] =	ssyncset.done $0x0  }
0xa4: {  	s25 =	simm.s32 $0x1B8E;
	s24 =	sld [smem:$0x3FFE];
	[sflag:s23] =	ssyncadd.s32 $0xFFFFFFFF  }
0xa5: {  	s26 =	simm.s32 $execute0_lowered;
	[smem:$0x3FD2] =	sst s25  }
0xa6: {  	s4 =	sshll.u32 s26, $0x1;
	_ =	strace $0x80000049;
	[dreg:$0x1] =	wrdreg $0xFFFFFFFF  }
0xa7: {  	s28 =	simm.s32 $_size_execute0_lowered;
	s2 =	sadd.s32 s2, s4;
	[dreg:$0x0] =	wrdreg $0x0  }
0xa8: {  	s4 =	sshll.u32 s28, $0x1;
	[dreg:$0x2] =	wrdreg s2  }
0xa9: {  	[dreg:$0x3] =	wrdreg s4  }
0xaa: {  	[dreg:$0x4] =	wrdreg $0xC0  }
0xab: {  	_ =	task [dreg:s6], $0x5FFFF  }
0xac: {  	[dreg:$0x1] =	wrdreg $0xFFFFFFFF  }
0xad: {  	[dreg:$0x0] =	wrdreg $0x60  }
0xae: {  	[dreg:$0x2] =	wrdreg s24  }
0xaf: {  	[dreg:$0x3] =	wrdreg $0x170000  }
0xb0: {  	[dreg:$0x4] =	wrdreg $0x120000  }
0xb1: {  	[dreg:$0x5] =	wrdreg $0x9  }
0xb2: {  	_ =	task.clear_ibuf [dreg:s6], $0x6FFFF;
	_ =	strace $0x90000049  }
0xb3: {  	s29 =	simm.s32 $0x9;
	_ =	strace $0x8000004B  }
0xb4: {  	_ =	swait.ge [sflag:s29], $0x1  }
0xb5: {  	[sflag:s29] =	ssyncadd.s32 $0xFFFFFFFF  }
0xb6: {  	_ =	strace $0x9000004B  }
0xb7: {  	_ =	sfence  }
0xb8: {  	s30 =	sld [smem:$0x0];
	_ =	sdelay $0x2  }
0xb9: {  	s31 =	sshll.u32 s1, $0xD;
	s1 =	sshrl.u32 s1, $0x2  }
0xba: {  	s3 =	sand.u32 $0x4000, s31;
	s1 =	sadd.s32 s1, s30  }
0xbb: {  	s0 =	sor.u32 s3, s0;
	s1 =	sshll.u32 s1, $0x11  }
0xbc: {  	s0 =	sor.u32 s1, s0  }
0xbd: {  	s0 =	sadd.s32 $0x8F2B, s0  }
0xbe: {  	[sflag:s0] =	ssyncadd.remote.s32 $0x1  }
0xbf: {  	_ =	sfence.sel $0xFFFF  }
0xc0: {  	[dreg:$0x0] =	wrdreg $0xFFFFFFFF;
	(pc) =	sbr.abs _section_cstart, $3  }
0xc1: {  	[dreg:$0x1] =	wrdreg $0xFFFFFFFF  }
0xc2: {  	_ =	task.clear_ibuf [dreg:s6], $0x2FFFF;
	_ =	strace $0x9FFFFFFF  }
0xc3: {  	(tm) =	ssettm $0x7FFFFFFF  }
tec
execute0_lowered:
.L_overlay_start_1:
0x0: {  	(tag) =	ssettag $0x1  }
0x1: {  	s5 =	rddreg [dreg:$0x0]  }
0x2: {  	s2 =	rddreg [dreg:$0x1]  }
0x3: {  	s3 =	rddreg [dreg:$0x2]  }
0x4: {  	s0 =	stileid.u32;
	s4 =	simm.s32 $0x0;
	s6 =	srdreg.scid  }
0x5: {  	s13 =	simm.s32 $0x4;
	s14 =	simm.s32 $0x8;
	s15 =	simm.s32 $0x5  }
0x6: {  	s17 =	simm.s32 $0x5000;
	s18 =	simm.s32 $0x200;
	s19 =	simm.s32 $0xA000  }
0x7: {  	s20 =	simm.s32 $0xE000;
	s21 =	simm.s32 $0x2;
	s22 =	simm.s32 $0x9E00  }
0x8: {  	s23 =	simm.s32 $0x0;
	s7 =	smul.u32 $0x5000, s0;
	[smem:$0x7FF] =	sst s4  }
0x9: {  	s6 =	sand.u32 $0x1, s6;
	s8 =	smul.u32 $0xA000, s0;
	s31 =	sshll.u32 s0, $0x6  }
0xa: {  	_ =	strace $0x8000004A;
	s9 =	sshll.u32 s6, $0x5;
	s6 =	ssub.s32 $0x2, s6  }
0xb: {  	s10 =	sshrl.u32 s7, $0x3;
	s8 =	sor.u32 s9, s8;
	s30 =	sshrl.u32 s6, $0x1  }
0xc: {  	s12 =	sadd.s32 s7, s2;
	s16 =	sadd.s32 s7, s3;
	s29 =	sadd.s32 s10, s5  }
0xd: {  	s8 =	sshrl.u32 s8, $0x3;
	s10 =	ssub.s32 s6, s30;
	s6 =	sor.u32 $0x1C05, s31  }
0xe: {  	s16 =	sshrl.u32 s16, $0x3;
	s11 =	sadd.s32 s8, s5;
	s7 =	sadd.s32 $0x2800, s29  }
0xf: {  	s8 =	sadd.s32 $0xC800, s29;
	s10 =	smax.u32 s10, $0x1;
	s5 =	sadd.s32 $0x16800, s11  }
0x10: {  	s9 =	sadd.s32 $0x2A800, s11;
	s11 =	sshrl.u32 s12, $0x3;
	s12 =	simm.s32 $0x1  }
.LBB2_1:
0x11: {  	[spmem:s11@s13], [sflag:s6] =	dma.strided [hbm:s5@s14], $0xA00, s12, $0x4   }
0x12: {  	_ =	swait.ge [sflag:s15], $0xA00  }
0x13: {  	[sflag:s15] =	ssyncset.done $0x0  }
0x14: {  	[sflag:s15] =	ssyncadd.s32 $0xFFFFF600  }
0x15: {  	[spmem:s16@s13], [sflag:s6] =	dma.strided [hbm:s5@s14], $0xA00, s12, $0x4   }
0x16: {  	_ =	swait.ge [sflag:s15], $0xA00  }
0x17: {  	[sflag:s15] =	ssyncset.done $0x0  }
0x18: {  	[sflag:s15] =	ssyncadd.s32 $0xFFFFF600  }
0x19: {  	[tilespmem:s4], [sflag:$0x5] =	stream.linear.gather [hbm4b:s7+s4], $0x5000, $0x38;
	[tilespmem:$0x1C000] =	vst v63  }
0x1a: {  	_ =	swait.ge [sflag:s15], $0x5000  }
0x1b: {  	[sflag:s15] =	ssyncset.done $0x0  }
0x1c: {  	[sflag:s15] =	ssyncadd.s32 $0xFFFFB000  }
0x1d: {  	[tilespmem:s17], [sflag:$0x5] =	stream.linear.gather [hbm4b:s8+s4], $0x5000, $0x38;
	[tilespmem:$0x1C000] =	vst v63  }
0x1e: {  	_ =	swait.ge [sflag:s15], $0x5000  }
0x1f: {  	[sflag:s15] =	ssyncset.done $0x0  }
0x20: {  	[sflag:s15] =	ssyncadd.s32 $0xFFFFB000  }
0x21: {  	[bflag:$0x0] =	sbarrier.arrive $0xFFFF  }
0x22: {  	[tilespmem:s19], [sflag:$0x1] =	stream.indirect.gather [spmem:s3], $0x20, s4, s18, $0xb8;
	[tilespmem:$0x1C000] =	vst v63  }
0x23: {  	_ = 	snop  }
0x24: {  	[tilespmem:s20], [sflag:$0x2] =	stream.indirect.gather [spmem:s3], $0x20, s18, s18, $0xb8;
	[tilespmem:$0x1C000] =	vst v63  }
0x25: {  	s25 =	sand.u32 $0x1, s21;
	_ =	swait.ge [sflag:s12], $0x4000  }
0x26: {  	s24 =	simm.s32 $0x400;
	s29 =	simm.s32 $0x1;
	[sflag:s12] =	ssyncset.done $0x0  }
0x27: {  	s26 =	sadd.s32 $0x3, s25;
	s28 =	sshll.u32 s25, $0xE;
	[sflag:s12] =	ssyncadd.s32 $0xFFFFC000  }
0x28: {  	[spmem:s2] =	stream.indirect.scatter.add.f32 [tilespmem:s19], [sflag:$0x3], $0x20, s17, s18, $0xb8;
	[tilespmem:$0x1C000] =	vst v63  }
0x29: {  	s25 =	sadd.s32 $0x1, s25;
	s31 =	sand.u32 $0x1, s29;
	_ =	swait.ge [sflag:s26], $0x4000  }
0x2a: {  	s1 =	sor.u32 $0xA000, s28;
	s29 =	sadd.s32 $0x1, s31;
	[sflag:s26] =	ssyncset.done $0x0  }
0x2b: {  	s28 =	sshll.u32 s31, $0xE;
	s31 =	sadd.s32 $0x3, s31;
	[sflag:s26] =	ssyncadd.s32 $0xFFFFC000  }
0x2c: {  	[tilespmem:s1], [sflag:s25] =	stream.indirect.gather [spmem:s3], $0x20, s24, s18, $0xb8;
	[tilespmem:$0x1C000] =	vst v63  }
0x2d: {  	s30 =	sor.u32 $0xA000, s28;
	s28 =	simm.s32 $0x5200;
	_ =	swait.ge [sflag:s29], $0x4000  }
0x2e: {  	s26 =	simm.s32 $0x3;
	s25 =	simm.s32 $0x5200;
	[sflag:s29] =	ssyncset.done $0x0  }
.LBB2_2:
0x2f: {  	[sflag:s29] =	ssyncadd.s32 $0xFFFFC000  }
0x30: {  	s25 =	sadd.s32 $0x200, s25;
	s24 =	sadd.s32 $0x200, s24;
	s29 =	smov.u32 s26  }
0x31: {  	[spmem:s2] =	stream.indirect.scatter.add.f32 [tilespmem:s30], [sflag:s31], $0x20, s28, s18, $0xb8;
	[tilespmem:$0x1C000] =	vst v63  }
0x32: {  	p0 =	sne.s32 s26, $0x27;
	s26 =	sadd.s32 $0x1, s26;
	s30 =	sand.u32 $0x1, s29  }
0x33: {  	s28 =	smov.u32 s25;
	s31 =	sadd.s32 $0x3, s30;
	s0 =	sshll.u32 s30, $0xE  }
0x34: {  	s29 =	sadd.s32 $0xFFFFFFFF, s29;
	_ =	swait.ge [sflag:s31], $0x4000  }
0x35: {  	s30 =	sadd.s32 $0x1, s30;
	s1 =	sand.u32 $0x1, s29;
	[sflag:s31] =	ssyncset.done $0x0  }
.Ltmp0:
0x36: {  	s0 =	sor.u32 $0xA000, s0;
	[sflag:s31] =	ssyncadd.s32 $0xFFFFC000;
	(pc) =	sbr.rel @p0 .LBB2_2-.Ltmp0, $4  }
0x37: {  	[tilespmem:s0], [sflag:s30] =	stream.indirect.gather [spmem:s3], $0x20, s24, s18, $0xb8;
	[tilespmem:$0x1C000] =	vst v63  }
0x38: {  	s29 =	sadd.s32 $0x1, s1;
	s0 =	sshll.u32 s1, $0xE  }
0x39: {  	_ =	swait.ge [sflag:s29], $0x4000  }
0x3a: {  	s31 =	sadd.s32 $0x3, s1;
	s30 =	sor.u32 $0xA000, s0;
	[sflag:s29] =	ssyncset.done $0x0  }
0x3b: {  	[sflag:s29] =	ssyncadd.s32 $0xFFFFC000  }
0x3c: {  	[spmem:s2] =	stream.indirect.scatter.add.f32 [tilespmem:s30], [sflag:s31], $0x20, s28, s18, $0xb8;
	[tilespmem:$0x1C000] =	vst v63  }
0x3d: {  	_ =	swait.ge [sflag:s31], $0x4000  }
0x3e: {  	[sflag:s31] =	ssyncset.done $0x0  }
0x3f: {  	[sflag:s31] =	ssyncadd.s32 $0xFFFFC000  }
0x40: {  	_ =	swait.ge [sflag:s21], $0x4000  }
0x41: {  	[sflag:s21] =	ssyncset.done $0x0  }
0x42: {  	[sflag:s21] =	ssyncadd.s32 $0xFFFFC000  }
0x43: {  	[spmem:s2] =	stream.indirect.scatter.add.f32 [tilespmem:s20], [sflag:$0x4], $0x20, s22, s18, $0xb8;
	[tilespmem:$0x1C000] =	vst v63  }
0x44: {  	_ =	swait.ge [sflag:s13], $0x4000  }
0x45: {  	s23 =	sadd.s32 $0x1, s23;
	[sflag:s13] =	ssyncset.done $0x0  }
0x46: {  	p0 =	sne.s32 s23, s10;
	[sflag:s13] =	ssyncadd.s32 $0xFFFFC000  }
.Ltmp1:
0x47: {  	[bflag:$0x0] =	sbarrier.arrive $0xFFFF;
	(pc) =	sbr.rel @p0 .LBB2_1-.Ltmp1, $4  }
0x48: {  	[hbm:s9@s14], [sflag:s6] =	dma.strided [spmem:s11@s13], $0xA00, s12, $0x4   }
0x49: {  	_ =	swait.ge [sflag:s15], $0xA00  }
0x4a: {  	[sflag:s15] =	ssyncset.done $0x0  }
0x4b: {  	[sflag:s15] =	ssyncadd.s32 $0xFFFFF600  }
0x4c: {  	_ =	sfence.sel $0x180000  }
0x4d: {  	[bflag:$0x0] =	sbarrier.arrive $0xFFFF  }
0x4e: {  	_ =	strace $0x9000004A  }
0x4f: {  	s0 =	stileid.u32;
	[bflag:$0x2] =	sbarrier.arrive $0xFFFF  }
0x50: {  	p0 =	sne.s32 s0, $0x0;
	s0 =	rddreg [dreg:$0x3]  }
0x51: {  	s0 =	sadd.s32 @!p0 $0x100000, s0  }
0x52: {  	[sflag:s0] =	ssyncadd.tile.s32 @!p0 $0x1;
	_ =	shalt  }
.Lfunc_end2:
_tile_overlayer_lowered:
.L_overlay_start_2:
0x53: {  	(tag) =	ssettag $0x2  }
0x54: {  	s0 =	rddreg [dreg:$0x0];
	s2 =	stileid.u32  }
0x55: {  	s1 =	rddreg [dreg:$0x1];
	p0 =	sne.s32 s2, $0x0  }
0x56: {  	s3 =	rddreg [dreg:$0x2];
	[bflag:$0x3] =	sbarrier.arrive $0xFFFF;
	s2 =	simm.s32 @!p0 $0x1C05  }
0x57: {  	[timem:s3], [sflag:s2] =	dma.local @!p0 [hbm:s0], s1  }
0x58: {  	s0 =	simm.s32 @!p0 $0x5  }
0x59: {  	_ =	swait.ge @!p0 [sflag:s0], s1  }
0x5a: {  	s1 =	ssub.s32 @!p0 $0x0, s1;
	[sflag:s0] =	ssyncset.done @!p0 $0x0  }
0x5b: {  	[sflag:s0] =	ssyncadd.s32 @!p0 s1  }
0x5c: {  	[bflag:$0x3] =	sbarrier.arrive $0xFFFF  }
0x5d: {  	_ =	shalt  }

// kernel: kernel.17.cloned.1.call-start
scs
__scs_entry_jumppad:
0x0: {  	(pc) =	sbr.rel $0x88, $3  }
0x1: {  	(tag) =	ssettag $0x0;
	lr =	simm.s32 $0x1  }
0x2: {  	[smem:$0x3F98] =	sst lr;
	_ =	strace $0xD0000000  }
0x3: {  	_ = 	snop  }
0x4: {  	_ = 	snop  }
0x5: {  	_ = 	snop  }
0x6: {  	_ = 	snop  }
0x7: {  	_ = 	snop  }
__scs_overlays_trampoline_lowered:
0x8: {  	[smem:$0x3FA7] =	sst s0  }
0x9: {  	[smem:$0x3FA8] =	sst s1  }
0xa: {  	[smem:$0x3FA9] =	sst s2  }
0xb: {  	[smem:$0x3FAA] =	sst s3  }
0xc: {  	[smem:$0x3FAB] =	sst s4  }
0xd: {  	[smem:$0x3FAC] =	sst s5  }
0xe: {  	[smem:$0x3FAD] =	sst s6  }
0xf: {  	[smem:$0x3FAE] =	sst s7  }
0x10: {  	[smem:$0x3FAF] =	sst s8  }
0x11: {  	[smem:$0x3FB0] =	sst s9;
	s0 =	simm.s32 @!p0 $0x0  }
0x12: {  	s1 =	sld [smem:$0x3F96];
	s0 =	simm.s32 @p0 $0x1  }
0x13: {  	[smem:$0x3FB1] =	sst s0;
	s0 =	simm.s32 @!p1 $0x0  }
0x14: {  	s2 =	sld [smem:$0x3F95];
	s0 =	simm.s32 @p1 $0x1  }
0x15: {  	[smem:$0x3FB2] =	sst s0;
	s0 =	simm.s32 @!p2 $0x0  }
0x16: {  	s3 =	sld [smem:$0x3FDB];
	s0 =	simm.s32 @p2 $0x1  }
0x17: {  	s4 =	simm.s32 $0x1BF5;
	[smem:$0x3FB4] =	sst s0  }
0x18: {  	s0 =	sld [smem:$0x3F97];
	_ =	swait.ge [sflag:s4], $0x0  }
0x19: {  	s7 =	sld [smem:$0x3F98]  }
0x1a: {  	s8 =	sadd.s32 $0xFFFFE003, lr  }
0x1b: {  	s9 =	sadd.s32 $0xFFFFFEF7, lr;
	s5 =	simm.s32 $0xFFFFFFFF;
	p2 =	slt.u32 s8, $0xFFFFF086  }
0x1c: {  	p1 =	slt.u32 s9, $0xF7A;
	s5 =	simm.s32 @!p2 $0x0  }
0x1d: {  	s5 =	simm.s32 @p1 $0x1;
	p0 =	seq.s32 s7, s2  }
0x1e: {  	s7 =	smul.u32 @!p0 $0xF7A, s2;
	p2 =	seq.s32 @!p0 s5, $0x0  }
0x1f: {  	s9 =	smul.u32 $0xF7A, s1;
	s8 =	simm.s32 @!p0 $0x1BF5;
	p2 =	por !p2, p0  }
0x20: {  	[sflag:s8] =	ssyncset.s32 @!p0 $0xFFFFF086;
	s6 =	sadd.s32 @!p0 s3, s7;
	s7 =	simm.s32 @!p0 $0x108  }
0x21: {  	s3 =	sadd.s32 s3, s9;
	s6 =	sadd.s32 @!p0 $0x88, s6;
	s7 =	simm.s32 @p2 $0x1082  }
0x22: {  	[simem:s7], [sflag:s8] =	dma.local @!p0 [hbm:s6], $0xF7A  }
0x23: {  	s9 =	sor.u32 $0xD0000000, s2;
	s6 =	simm.s32 $0x108;
	_ =	swait.ge @!p0 [sflag:s8], $0x0  }
0x24: {  	s3 =	sadd.s32 $0x88, s3;
	s6 =	simm.s32 @!p1 $0x1082;
	[sflag:s4] =	ssyncset.s32 $0xFFFFF086  }
0x25: {  	[simem:s6], [sflag:s4] =	dma.local [hbm:s3], $0xF7A  }
0x26: {  	[smem:$0x3F98] =	sst s1;
	(tag) =	ssettag s2;
	_ =	strace s9  }
0x27: {  	s1 =	sld [smem:$0x3FA8]  }
0x28: {  	s2 =	sld [smem:$0x3FA9]  }
0x29: {  	s4 =	sld [smem:$0x3FAB]  }
0x2a: {  	p0 =	seq.s32 s5, $0x0;
	s5 =	sld [smem:$0x3FAC]  }
0x2b: {  	s6 =	sld [smem:$0x3FAD]  }
0x2c: {  	s7 =	sld [smem:$0x3FAE]  }
0x2d: {  	s3 =	simm.s32 $0x108;
	s8 =	sld [smem:$0x3FAF]  }
0x2e: {  	s3 =	simm.s32 @!p0 $0x1082;
	s9 =	sld [smem:$0x3FB0]  }
0x2f: {  	lr =	sadd.s32 s0, s3;
	s0 =	sld [smem:$0x3FA7]  }
0x30: {  	s3 =	sld [smem:$0x3FAA]  }
0x31: {  	[smem:$0x3FB3] =	sst s10  }
0x32: {  	s10 =	sld [smem:$0x3FB1];
	_ =	sdelay $0x3  }
0x33: {  	p0 =	seq.s32 s10, $0x1;
	s10 =	sld [smem:$0x3FB3];
	_ =	sdelay $0x3  }
0x34: {  	[smem:$0x3FB3] =	sst s10  }
0x35: {  	s10 =	sld [smem:$0x3FB2];
	_ =	sdelay $0x3  }
0x36: {  	p1 =	seq.s32 s10, $0x1;
	s10 =	sld [smem:$0x3FB3];
	_ =	sdelay $0x3  }
0x37: {  	[smem:$0x3FB3] =	sst s10  }
0x38: {  	s10 =	sld [smem:$0x3FB4]  }
0x39: {  	_ = 	snop;
	(pc) =	sbr.ind lr, $3  }
0x3a: {  	_ = 	snop  }
0x3b: {  	_ = 	snop  }
0x3c: {  	p2 =	seq.s32 s10, $0x1;
	s10 =	sld [smem:$0x3FB3]  }
0x3d: {  	_ =	shalt  }
0x3e: {  	_ =	shalt  }
0x3f: {  	_ =	shalt  }
0x40: {  	_ =	shalt  }
0x41: {  	_ =	shalt  }
0x42: {  	_ =	shalt  }
0x43: {  	_ =	shalt  }
0x44: {  	_ =	shalt  }
0x45: {  	_ =	shalt  }
0x46: {  	_ =	shalt  }
0x47: {  	_ =	shalt  }
0x48: {  	_ =	shalt  }
0x49: {  	_ =	shalt  }
0x4a: {  	_ =	shalt  }
0x4b: {  	_ =	shalt  }
0x4c: {  	_ =	shalt  }
0x4d: {  	_ =	shalt  }
0x4e: {  	_ =	shalt  }
0x4f: {  	_ =	shalt  }
0x50: {  	_ =	shalt  }
0x51: {  	_ =	shalt  }
0x52: {  	_ =	shalt  }
0x53: {  	_ =	shalt  }
0x54: {  	_ =	shalt  }
0x55: {  	_ =	shalt  }
0x56: {  	_ =	shalt  }
0x57: {  	_ =	shalt  }
0x58: {  	_ =	shalt  }
0x59: {  	_ =	shalt  }
0x5a: {  	_ =	shalt  }
0x5b: {  	_ =	shalt  }
0x5c: {  	_ =	shalt  }
0x5d: {  	_ =	shalt  }
0x5e: {  	_ =	shalt  }
0x5f: {  	_ =	shalt  }
0x60: {  	_ =	shalt  }
0x61: {  	_ =	shalt  }
0x62: {  	_ =	shalt  }
0x63: {  	_ =	shalt  }
0x64: {  	_ =	shalt  }
0x65: {  	_ =	shalt  }
0x66: {  	_ =	shalt  }
0x67: {  	_ =	shalt  }
0x68: {  	_ =	shalt  }
0x69: {  	_ =	shalt  }
0x6a: {  	_ =	shalt  }
0x6b: {  	_ =	shalt  }
0x6c: {  	_ =	shalt  }
0x6d: {  	_ =	shalt  }
0x6e: {  	_ =	shalt  }
0x6f: {  	_ =	shalt  }
0x70: {  	_ =	shalt  }
0x71: {  	_ =	shalt  }
0x72: {  	_ =	shalt  }
0x73: {  	_ =	shalt  }
0x74: {  	_ =	shalt  }
0x75: {  	_ =	shalt  }
0x76: {  	_ =	shalt  }
0x77: {  	_ =	shalt  }
0x78: {  	_ =	shalt  }
0x79: {  	_ =	shalt  }
0x7a: {  	_ =	shalt  }
0x7b: {  	_ =	shalt  }
0x7c: {  	_ =	shalt  }
0x7d: {  	_ =	shalt  }
0x7e: {  	_ =	shalt  }
0x7f: {  	_ =	shalt  }
0x80: {  	_ =	shalt  }
0x81: {  	_ =	shalt  }
0x82: {  	_ =	shalt  }
0x83: {  	_ =	shalt  }
0x84: {  	_ =	shalt  }
0x85: {  	_ =	shalt  }
0x86: {  	_ =	shalt  }
0x87: {  	_ =	shalt  }
.Lfunc_end0:
.L_simem_size_0:
called_computation.2_lowered:
.L_overlay_start_0:
0x88: {  	s2 =	sld [smem:$0x3FD9]  }
0x89: {  	s3 =	sld [smem:$0x3FFE];
	_ =	sdelay $0x1  }
0x8a: {  	s1 =	srdreg.scid  }
0x8b: {  	s0 =	sand.u32 $0x1, s1  }
0x8c: {  	s16 =	sshll.u32 s0, $0xA;
	s2 =	sadd.s32 s3, s2  }
0x8d: {  	s2 =	sadd.s32 s2, s16  }
0x8e: {  	[smem:$0x3FBF] =	sst s2  }
0x8f: {  	_ = 	snop  }
0x90: {  	(tm) =	ssettm $0x1  }
0x91: {  	s17 =	sld [smem:$0x3FFB];
	_ =	sdelay $0x3  }
0x92: {  	_ =	strace s17  }
0x93: {  	s2 =	sld [smem:$0x3FFC];
	_ =	sdelay $0x3  }
0x94: {  	_ =	strace s2  }
0x95: {  	s2 =	sld [smem:$0x3FFD];
	_ =	sdelay $0x3  }
0x96: {  	_ =	strace s2  }
0x97: {  	_ =	strace $0x8FFFFFFF  }
0x98: {  	s18 =	sld [smem:$0x3FDB];
	_ =	sdelay $0x1  }
0x99: {  	s19 =	simm.s32 $_scs_section_size  }
0x9a: {  	s4 =	simm.s32 $_size__tile_overlayer_lowered;
	s5 =	simm.s32 $_tile_overlayer_lowered  }
0x9b: {  	s22 =	simm.s32 $0x1BFF;
	s21 =	sshll.u32 s5, $0x1;
	s2 =	sadd.s32 s19, s18  }
0x9c: {  	s6 =	simm.s32 $0x0;
	s20 =	sshll.u32 s4, $0x1;
	s4 =	sadd.s32 s21, s2  }
0x9d: {  	[timem:s6], [sflag:s22] =	dma.local [hbm:s4], s20  }
0x9e: {  	_ =	swait.ge [sflag:s22], s20  }
0x9f: {  	s3 =	ssub.s32 $0x0, s20;
	[sflag:s22] =	ssyncset.done $0x0  }
0xa0: {  	[sflag:s22] =	ssyncadd.s32 s3;
	_ =	sdelay $0x1  }
0xa1: {  	s23 =	simm.s32 $0x1B8B  }
0xa2: {  	_ =	swait.ge [sflag:s23], $0x1  }
0xa3: {  	[sflag:s23] =	ssyncset.done $0x0  }
0xa4: {  	s25 =	simm.s32 $0x1B8E;
	s24 =	sld [smem:$0x3FFE];
	[sflag:s23] =	ssyncadd.s32 $0xFFFFFFFF  }
0xa5: {  	s26 =	simm.s32 $execute0_lowered;
	[smem:$0x3FD2] =	sst s25  }
0xa6: {  	s4 =	sshll.u32 s26, $0x1;
	_ =	strace $0x8000004C;
	[dreg:$0x1] =	wrdreg $0xFFFFFFFF  }
0xa7: {  	s28 =	simm.s32 $_size_execute0_lowered;
	s2 =	sadd.s32 s2, s4;
	[dreg:$0x0] =	wrdreg $0x0  }
0xa8: {  	s4 =	sshll.u32 s28, $0x1;
	[dreg:$0x2] =	wrdreg s2  }
0xa9: {  	[dreg:$0x3] =	wrdreg s4  }
0xaa: {  	[dreg:$0x4] =	wrdreg $0xC0  }
0xab: {  	_ =	task [dreg:s6], $0x5FFFF  }
0xac: {  	[dreg:$0x1] =	wrdreg $0xFFFFFFFF  }
0xad: {  	[dreg:$0x0] =	wrdreg $0x60  }
0xae: {  	[dreg:$0x2] =	wrdreg s24  }
0xaf: {  	[dreg:$0x3] =	wrdreg $0x170000  }
0xb0: {  	[dreg:$0x4] =	wrdreg $0x120000  }
0xb1: {  	[dreg:$0x5] =	wrdreg $0x9  }
0xb2: {  	_ =	task.clear_ibuf [dreg:s6], $0x6FFFF;
	_ =	strace $0x9000004C  }
0xb3: {  	s29 =	simm.s32 $0x9;
	_ =	strace $0x8000004E  }
0xb4: {  	_ =	swait.ge [sflag:s29], $0x1  }
0xb5: {  	[sflag:s29] =	ssyncadd.s32 $0xFFFFFFFF  }
0xb6: {  	_ =	strace $0x9000004E  }
0xb7: {  	_ =	sfence  }
0xb8: {  	s30 =	sld [smem:$0x0];
	_ =	sdelay $0x2  }
0xb9: {  	s31 =	sshll.u32 s1, $0xD;
	s1 =	sshrl.u32 s1, $0x2  }
0xba: {  	s3 =	sand.u32 $0x4000, s31;
	s1 =	sadd.s32 s1, s30  }
0xbb: {  	s0 =	sor.u32 s3, s0;
	s1 =	sshll.u32 s1, $0x11  }
0xbc: {  	s0 =	sor.u32 s1, s0  }
0xbd: {  	s0 =	sadd.s32 $0x8F2B, s0  }
0xbe: {  	[sflag:s0] =	ssyncadd.remote.s32 $0x1  }
0xbf: {  	_ =	sfence.sel $0xFFFF  }
0xc0: {  	[dreg:$0x0] =	wrdreg $0xFFFFFFFF;
	(pc) =	sbr.abs _section_cstart, $3  }
0xc1: {  	[dreg:$0x1] =	wrdreg $0xFFFFFFFF  }
0xc2: {  	_ =	task.clear_ibuf [dreg:s6], $0x2FFFF;
	_ =	strace $0x9FFFFFFF  }
0xc3: {  	(tm) =	ssettm $0x7FFFFFFF  }
tec
execute0_lowered:
.L_overlay_start_1:
0x0: {  	(tag) =	ssettag $0x1  }
0x1: {  	s5 =	rddreg [dreg:$0x0]  }
0x2: {  	s2 =	rddreg [dreg:$0x1]  }
0x3: {  	s3 =	rddreg [dreg:$0x2]  }
0x4: {  	s0 =	stileid.u32;
	s4 =	simm.s32 $0x0;
	s6 =	srdreg.scid  }
0x5: {  	s13 =	simm.s32 $0x4;
	s14 =	simm.s32 $0x8;
	s15 =	simm.s32 $0x5  }
0x6: {  	s17 =	simm.s32 $0x5000;
	s18 =	simm.s32 $0x200;
	s19 =	simm.s32 $0xA000  }
0x7: {  	s20 =	simm.s32 $0xE000;
	s21 =	simm.s32 $0x2;
	s22 =	simm.s32 $0x9E00  }
0x8: {  	s23 =	simm.s32 $0x0;
	s7 =	smul.u32 $0x5000, s0;
	[smem:$0x7FF] =	sst s4  }
0x9: {  	s6 =	sand.u32 $0x1, s6;
	s8 =	smul.u32 $0xA000, s0;
	s31 =	sshll.u32 s0, $0x6  }
0xa: {  	_ =	strace $0x8000004D;
	s9 =	sshll.u32 s6, $0x5;
	s6 =	ssub.s32 $0x2, s6  }
0xb: {  	s10 =	sshrl.u32 s7, $0x3;
	s8 =	sor.u32 s9, s8;
	s30 =	sshrl.u32 s6, $0x1  }
0xc: {  	s12 =	sadd.s32 s7, s2;
	s16 =	sadd.s32 s7, s3;
	s29 =	sadd.s32 s10, s5  }
0xd: {  	s8 =	sshrl.u32 s8, $0x3;
	s10 =	ssub.s32 s6, s30;
	s6 =	sor.u32 $0x1C05, s31  }
0xe: {  	s16 =	sshrl.u32 s16, $0x3;
	s11 =	sadd.s32 s8, s5;
	s7 =	sadd.s32 $0x2800, s29  }
0xf: {  	s8 =	sadd.s32 $0xC800, s29;
	s10 =	smax.u32 s10, $0x1;
	s5 =	sadd.s32 $0x16800, s11  }
0x10: {  	s9 =	sadd.s32 $0x2A800, s11;
	s11 =	sshrl.u32 s12, $0x3;
	s12 =	simm.s32 $0x1  }
.LBB2_1:
0x11: {  	[spmem:s11@s13], [sflag:s6] =	dma.strided [hbm:s5@s14], $0xA00, s12, $0x4   }
0x12: {  	_ =	swait.ge [sflag:s15], $0xA00  }
0x13: {  	[sflag:s15] =	ssyncset.done $0x0  }
0x14: {  	[sflag:s15] =	ssyncadd.s32 $0xFFFFF600  }
0x15: {  	[spmem:s16@s13], [sflag:s6] =	dma.strided [hbm:s5@s14], $0xA00, s12, $0x4   }
0x16: {  	_ =	swait.ge [sflag:s15], $0xA00  }
0x17: {  	[sflag:s15] =	ssyncset.done $0x0  }
0x18: {  	[sflag:s15] =	ssyncadd.s32 $0xFFFFF600  }
0x19: {  	[tilespmem:s4], [sflag:$0x5] =	stream.linear.gather [hbm4b:s7+s4], $0x5000, $0x38;
	[tilespmem:$0x1C000] =	vst v63  }
0x1a: {  	_ =	swait.ge [sflag:s15], $0x5000  }
0x1b: {  	[sflag:s15] =	ssyncset.done $0x0  }
0x1c: {  	[sflag:s15] =	ssyncadd.s32 $0xFFFFB000  }
0x1d: {  	[tilespmem:s17], [sflag:$0x5] =	stream.linear.gather [hbm4b:s8+s4], $0x5000, $0x38;
	[tilespmem:$0x1C000] =	vst v63  }
0x1e: {  	_ =	swait.ge [sflag:s15], $0x5000  }
0x1f: {  	[sflag:s15] =	ssyncset.done $0x0  }
0x20: {  	[sflag:s15] =	ssyncadd.s32 $0xFFFFB000  }
0x21: {  	[bflag:$0x0] =	sbarrier.arrive $0xFFFF  }
0x22: {  	[tilespmem:s19], [sflag:$0x1] =	stream.indirect.gather [spmem:s3], $0x20, s4, s18, $0xb8;
	[tilespmem:$0x1C000] =	vst v63  }
0x23: {  	_ = 	snop  }
0x24: {  	[tilespmem:s20], [sflag:$0x2] =	stream.indirect.gather [spmem:s3], $0x20, s18, s18, $0xb8;
	[tilespmem:$0x1C000] =	vst v63  }
0x25: {  	s25 =	sand.u32 $0x1, s21;
	_ =	swait.ge [sflag:s12], $0x4000  }
0x26: {  	s24 =	simm.s32 $0x400;
	s29 =	simm.s32 $0x1;
	[sflag:s12] =	ssyncset.done $0x0  }
0x27: {  	s26 =	sadd.s32 $0x3, s25;
	s28 =	sshll.u32 s25, $0xE;
	[sflag:s12] =	ssyncadd.s32 $0xFFFFC000  }
0x28: {  	[spmem:s2] =	stream.indirect.scatter.add.f32 [tilespmem:s19], [sflag:$0x3], $0x20, s17, s18, $0xb8;
	[tilespmem:$0x1C000] =	vst v63  }
0x29: {  	s25 =	sadd.s32 $0x1, s25;
	s31 =	sand.u32 $0x1, s29;
	_ =	swait.ge [sflag:s26], $0x4000  }
0x2a: {  	s1 =	sor.u32 $0xA000, s28;
	s29 =	sadd.s32 $0x1, s31;
	[sflag:s26] =	ssyncset.done $0x0  }
0x2b: {  	s28 =	sshll.u32 s31, $0xE;
	s31 =	sadd.s32 $0x3, s31;
	[sflag:s26] =	ssyncadd.s32 $0xFFFFC000  }
0x2c: {  	[tilespmem:s1], [sflag:s25] =	stream.indirect.gather [spmem:s3], $0x20, s24, s18, $0xb8;
	[tilespmem:$0x1C000] =	vst v63  }
0x2d: {  	s30 =	sor.u32 $0xA000, s28;
	s28 =	simm.s32 $0x5200;
	_ =	swait.ge [sflag:s29], $0x4000  }
0x2e: {  	s26 =	simm.s32 $0x3;
	s25 =	simm.s32 $0x5200;
	[sflag:s29] =	ssyncset.done $0x0  }
.LBB2_2:
0x2f: {  	[sflag:s29] =	ssyncadd.s32 $0xFFFFC000  }
0x30: {  	s25 =	sadd.s32 $0x200, s25;
	s24 =	sadd.s32 $0x200, s24;
	s29 =	smov.u32 s26  }
0x31: {  	[spmem:s2] =	stream.indirect.scatter.add.f32 [tilespmem:s30], [sflag:s31], $0x20, s28, s18, $0xb8;
	[tilespmem:$0x1C000] =	vst v63  }
0x32: {  	p0 =	sne.s32 s26, $0x27;
	s26 =	sadd.s32 $0x1, s26;
	s30 =	sand.u32 $0x1, s29  }
0x33: {  	s28 =	smov.u32 s25;
	s31 =	sadd.s32 $0x3, s30;
	s0 =	sshll.u32 s30, $0xE  }
0x34: {  	s29 =	sadd.s32 $0xFFFFFFFF, s29;
	_ =	swait.ge [sflag:s31], $0x4000  }
0x35: {  	s30 =	sadd.s32 $0x1, s30;
	s1 =	sand.u32 $0x1, s29;
	[sflag:s31] =	ssyncset.done $0x0  }
.Ltmp0:
0x36: {  	s0 =	sor.u32 $0xA000, s0;
	[sflag:s31] =	ssyncadd.s32 $0xFFFFC000;
	(pc) =	sbr.rel @p0 .LBB2_2-.Ltmp0, $4  }
0x37: {  	[tilespmem:s0], [sflag:s30] =	stream.indirect.gather [spmem:s3], $0x20, s24, s18, $0xb8;
	[tilespmem:$0x1C000] =	vst v63  }
0x38: {  	s29 =	sadd.s32 $0x1, s1;
	s0 =	sshll.u32 s1, $0xE  }
0x39: {  	_ =	swait.ge [sflag:s29], $0x4000  }
0x3a: {  	s31 =	sadd.s32 $0x3, s1;
	s30 =	sor.u32 $0xA000, s0;
	[sflag:s29] =	ssyncset.done $0x0  }
0x3b: {  	[sflag:s29] =	ssyncadd.s32 $0xFFFFC000  }
0x3c: {  	[spmem:s2] =	stream.indirect.scatter.add.f32 [tilespmem:s30], [sflag:s31], $0x20, s28, s18, $0xb8;
	[tilespmem:$0x1C000] =	vst v63  }
0x3d: {  	_ =	swait.ge [sflag:s31], $0x4000  }
0x3e: {  	[sflag:s31] =	ssyncset.done $0x0  }
0x3f: {  	[sflag:s31] =	ssyncadd.s32 $0xFFFFC000  }
0x40: {  	_ =	swait.ge [sflag:s21], $0x4000  }
0x41: {  	[sflag:s21] =	ssyncset.done $0x0  }
0x42: {  	[sflag:s21] =	ssyncadd.s32 $0xFFFFC000  }
0x43: {  	[spmem:s2] =	stream.indirect.scatter.add.f32 [tilespmem:s20], [sflag:$0x4], $0x20, s22, s18, $0xb8;
	[tilespmem:$0x1C000] =	vst v63  }
0x44: {  	_ =	swait.ge [sflag:s13], $0x4000  }
0x45: {  	s23 =	sadd.s32 $0x1, s23;
	[sflag:s13] =	ssyncset.done $0x0  }
0x46: {  	p0 =	sne.s32 s23, s10;
	[sflag:s13] =	ssyncadd.s32 $0xFFFFC000  }
.Ltmp1:
0x47: {  	[bflag:$0x0] =	sbarrier.arrive $0xFFFF;
	(pc) =	sbr.rel @p0 .LBB2_1-.Ltmp1, $4  }
0x48: {  	[hbm:s9@s14], [sflag:s6] =	dma.strided [spmem:s11@s13], $0xA00, s12, $0x4   }
0x49: {  	_ =	swait.ge [sflag:s15], $0xA00  }
0x4a: {  	[sflag:s15] =	ssyncset.done $0x0  }
0x4b: {  	[sflag:s15] =	ssyncadd.s32 $0xFFFFF600  }
0x4c: {  	_ =	sfence.sel $0x180000  }
0x4d: {  	[bflag:$0x0] =	sbarrier.arrive $0xFFFF  }
0x4e: {  	_ =	strace $0x9000004D  }
0x4f: {  	s0 =	stileid.u32;
	[bflag:$0x2] =	sbarrier.arrive $0xFFFF  }
0x50: {  	p0 =	sne.s32 s0, $0x0;
	s0 =	rddreg [dreg:$0x3]  }
0x51: {  	s0 =	sadd.s32 @!p0 $0x100000, s0  }
0x52: {  	[sflag:s0] =	ssyncadd.tile.s32 @!p0 $0x1;
	_ =	shalt  }
.Lfunc_end2:
_tile_overlayer_lowered:
.L_overlay_start_2:
0x53: {  	(tag) =	ssettag $0x2  }
0x54: {  	s0 =	rddreg [dreg:$0x0];
	s2 =	stileid.u32  }
0x55: {  	s1 =	rddreg [dreg:$0x1];
	p0 =	sne.s32 s2, $0x0  }
0x56: {  	s3 =	rddreg [dreg:$0x2];
	[bflag:$0x3] =	sbarrier.arrive $0xFFFF;
	s2 =	simm.s32 @!p0 $0x1C05  }
0x57: {  	[timem:s3], [sflag:s2] =	dma.local @!p0 [hbm:s0], s1  }
0x58: {  	s0 =	simm.s32 @!p0 $0x5  }
0x59: {  	_ =	swait.ge @!p0 [sflag:s0], s1  }
0x5a: {  	s1 =	ssub.s32 @!p0 $0x0, s1;
	[sflag:s0] =	ssyncset.done @!p0 $0x0  }
0x5b: {  	[sflag:s0] =	ssyncadd.s32 @!p0 s1  }
0x5c: {  	[bflag:$0x3] =	sbarrier.arrive $0xFFFF  }
0x5d: {  	_ =	shalt  }

</sc_bundles>
